<compile_context>
chip_gen: v7x
topology: tpu7x:2x2x1
jax: 0.10.2.dev20260603
libtpu: 0.0.44.dev20260713+nightly
codegen_flags: <defaults>
</compile_context>

<pallas_src>
import functools

import jax
import jax.numpy as jnp
from jax import lax
from jax.experimental import pallas as pl
from jax.experimental.pallas import tpu as pltpu
from jax.experimental.pallas import tpu_sc as plsc

EDIM = 64
BATCH = 16384

_NC, _NS = 2, 16
_NW = _NC * _NS
_BPW = BATCH // _NW
_L = 16
_R = 8
_NG = _BPW // _R

_mesh = plsc.VectorSubcoreMesh(core_axis_name="c", subcore_axis_name="s")


@functools.partial(
    pl.kernel,
    mesh=_mesh,
    out_type=jax.ShapeDtypeStruct((EDIM, BATCH), jnp.float32),
    scratch_types=[
        pltpu.VMEM((_BPW + _L,), jnp.int32),
        pltpu.VMEM((EDIM, _BPW), jnp.float32),
        [pltpu.VMEM((EDIM, 128), jnp.float32) for _ in range(_R)],
        [pltpu.SemaphoreType.DMA for _ in range(_R)],
    ],
    compiler_params=pltpu.CompilerParams(needs_layout_passes=False),
)
def _sc_gather_t(idx_hbm, tab_t_hbm, out_hbm, idx_v, cols_v, stages, sems):
    wid = lax.axis_index("s") * _NC + lax.axis_index("c")
    base = wid * _BPW
    pltpu.sync_copy(idx_hbm.at[pl.ds(base, _BPW)], idx_v.at[pl.ds(0, _BPW)])

    def fetch(ebase, lane, slot):
        v = idx_v[pl.ds(ebase, _L)]
        col = v[lane]
        tc = pl.multiple_of((col >> 7) << 7, 128)
        pltpu.make_async_copy(
            tab_t_hbm.at[:, pl.ds(tc, 128)], stages[slot], sems[slot]
        ).start()

    def drain(slot):
        pltpu.make_async_copy(
            tab_t_hbm.at[:, pl.ds(0, 128)], stages[slot], sems[slot]
        ).wait()

    def extract(g, slot):
        e = g * _R + slot
        v = idx_v[pl.ds(g * _R, _L)]
        c = jnp.full((_L,), v[slot] & 127, jnp.int32)
        p = jnp.full((_L,), e, jnp.int32)
        for k in range(EDIM // _L):
            d = lax.iota(jnp.int32, _L) + (k * _L)
            vals = plsc.load_gather(stages[slot], [d, c])
            plsc.store_scatter(cols_v, [d, p], vals)

    for slot in range(_R):
        fetch(0, slot, slot)

    def round_(g, carry):
        for slot in range(_R):
            drain(slot)
            extract(g, slot)

            @pl.when(g < _NG - 1)
            def _():
                fetch((g + 1) * _R, slot, slot)
        return carry

    lax.fori_loop(0, _NG, round_, 0)
    pltpu.sync_copy(cols_v, out_hbm.at[:, pl.ds(base, _BPW)])


_BLK = 2048


def _mlp_t_body(x_ref, w1_ref, b1_ref, w2_ref, b2_ref, o_ref):
    x = x_ref[...]
    h = jnp.dot(w1_ref[...], x, preferred_element_type=jnp.float32) + b1_ref[...]
    h = h * jax.nn.sigmoid(h)
    o_ref[...] = (
        jnp.dot(w2_ref[...], h, preferred_element_type=jnp.float32) + b2_ref[...]
    )


def _tc_mlp_t(emb_t, w1, b1c, w2, b2c):
    return pl.pallas_call(
        _mlp_t_body,
        grid=(BATCH // _BLK,),
        in_specs=[
            pl.BlockSpec((EDIM, _BLK), lambda i: (0, i)),
            pl.BlockSpec((EDIM, EDIM), lambda i: (0, 0)),
            pl.BlockSpec((EDIM, 1), lambda i: (0, 0)),
            pl.BlockSpec((EDIM, EDIM), lambda i: (0, 0)),
            pl.BlockSpec((EDIM, 1), lambda i: (0, 0)),
        ],
        out_specs=pl.BlockSpec((EDIM, _BLK), lambda i: (0, i)),
        out_shape=jax.ShapeDtypeStruct((EDIM, BATCH), jnp.float32),
    )(emb_t, w1, b1c, w2, b2c)


def kernel(index, table, W1, b1, W2, b2):
    emb_t = _sc_gather_t(index.astype(jnp.int32), table.T)
    out_t = _tc_mlp_t(emb_t, W1, b1[:, None], W2, b2[:, None])
    return out_t.T

# --- scband reference (transcript-rebuilt; emitter-appended) ---
"""Pipeline reference for scband-class-embeddings-23802708754717 (READ-ONLY COPY).

The authoritative reference and input builder live on the scoring server;
editing this copy changes nothing except your own understanding.
"""

import jax, jax.numpy as jnp
import numpy as np

N_CLASSES = 1000000
EDIM = 64
BATCH = 16384

def setup_inputs(seed: int = 0) -> dict:
    key = jax.random.key(seed)
    k_idx, k_tab, k_w1, k_b1, k_w2, k_b2 = jax.random.split(key, 6)
    index = jax.random.randint(k_idx, (BATCH,), 0, N_CLASSES, dtype=jnp.int64 if jax.config.jax_enable_x64 else jnp.int32)
    # nn.Embedding default init: N(0, 1)
    table = jax.random.normal(k_tab, (N_CLASSES, EDIM), dtype=jnp.float32)
    # nn.Linear default init: kaiming_uniform on weight, uniform on bias
    bound = 1.0 / np.sqrt(EDIM)
    W1 = jax.random.uniform(k_w1, (EDIM, EDIM), minval=-bound, maxval=bound, dtype=jnp.float32)
    b1 = jax.random.uniform(k_b1, (EDIM,), minval=-bound, maxval=bound, dtype=jnp.float32)
    W2 = jax.random.uniform(k_w2, (EDIM, EDIM), minval=-bound, maxval=bound, dtype=jnp.float32)
    b2 = jax.random.uniform(k_b2, (EDIM,), minval=-bound, maxval=bound, dtype=jnp.float32)
    return {"index": index, "table": table, "W1": W1, "b1": b1, "W2": W2, "b2": b2}

def reference(index, table, W1, b1, W2, b2):
    # embedding lookup
    emb = jnp.take(table, index, axis=0)  # [B, EDIM]
    # class_mlp: Linear -> SiLU -> Linear (torch Linear: y = x @ W.T + b)
    h = emb @ W1.T + b1
    h = h * jax.nn.sigmoid(h)  # SiLU
    out = h @ W2.T + b2
    return out

if __name__ == "__main__":
    import jax
    _d = setup_inputs()
    print(jax.jit(kernel)(*tuple(_d.values())))

</pallas_src>

<mosaic_0001>
#map = affine_map<(d0, d1) -> (0)>
#map1 = affine_map<(d0, d1) -> (0, 0)>
module attributes {stable_mosaic.version = 14 : i64} {
  func.func @_sc_gather_t(%arg0: i32, %arg1: i32, %arg2: memref<16384xi32, #tpu.memory_space<hbm>>, %arg3: memref<64x1000000xf32, #tpu.memory_space<hbm>>, %arg4: memref<64x16384xf32, #tpu.memory_space<hbm>>, %arg5: memref<528xi32, #tpu.memory_space<vmem>>, %arg6: memref<64x512xf32, #tpu.memory_space<vmem>>, %arg7: memref<64x128xf32, #tpu.memory_space<vmem>>, %arg8: memref<64x128xf32, #tpu.memory_space<vmem>>, %arg9: memref<64x128xf32, #tpu.memory_space<vmem>>, %arg10: memref<64x128xf32, #tpu.memory_space<vmem>>, %arg11: memref<64x128xf32, #tpu.memory_space<vmem>>, %arg12: memref<64x128xf32, #tpu.memory_space<vmem>>, %arg13: memref<64x128xf32, #tpu.memory_space<vmem>>, %arg14: memref<64x128xf32, #tpu.memory_space<vmem>>, %arg15: memref<!tpu.dma_semaphore, #tpu.memory_space<semaphore_mem>>, %arg16: memref<!tpu.dma_semaphore, #tpu.memory_space<semaphore_mem>>, %arg17: memref<!tpu.dma_semaphore, #tpu.memory_space<semaphore_mem>>, %arg18: memref<!tpu.dma_semaphore, #tpu.memory_space<semaphore_mem>>, %arg19: memref<!tpu.dma_semaphore, #tpu.memory_space<semaphore_mem>>, %arg20: memref<!tpu.dma_semaphore, #tpu.memory_space<semaphore_mem>>, %arg21: memref<!tpu.dma_semaphore, #tpu.memory_space<semaphore_mem>>, %arg22: memref<!tpu.dma_semaphore, #tpu.memory_space<semaphore_mem>>) attributes {dimension_semantics = [#tpu.dimension_semantics<core_parallel>, #tpu.dimension_semantics<subcore_parallel>], iteration_bounds = array<i64: 2, 16>, scalar_prefetch = 0 : i64, scratch_operands = 18 : i64, tpu.core_type = #tpu.core_type<sc_vector_subcore>, window_params = [{transform_indices = #map}, {transform_indices = #map1}, {transform_indices = #map1}]} {
    %mul3A = arith.constant 2 : i32
    %mul3A_0 = arith.muli %arg1, %mul3A : i32
    %add3A = arith.addi %mul3A_0, %arg0 : i32
    %mul3A_1 = arith.constant 512 : i32
    %mul3A_2 = arith.muli %add3A, %mul3A_1 : i32
    "tpu.region"() ({
      %run_scoped3A = tpu.sem_alloc : memref<!tpu.dma_semaphore, #tpu.memory_space<semaphore_mem>>
      %dma_start3A_105 = arith.constant 0 : i32
      %dma_start3A_106 = tpu.memref_slice %arg5[%dma_start3A_105] : memref<528xi32, #tpu.memory_space<vmem>> -> memref<512xi32, #tpu.memory_space<vmem>>
      %dma_start3A_107 = tpu.memref_slice %arg2[%mul3A_2] : memref<16384xi32, #tpu.memory_space<hbm>> -> memref<512xi32, #tpu.memory_space<hbm>>
      %dma_start3A_108 = arith.constant 0 : i32
      %dma_start3A_109 = tpu.memref_slice %arg5[%dma_start3A_108] : memref<528xi32, #tpu.memory_space<vmem>> -> memref<512xi32, #tpu.memory_space<vmem>>
      %dma_start3A_110 = tpu.memref_slice %arg2[%mul3A_2] : memref<16384xi32, #tpu.memory_space<hbm>> -> memref<512xi32, #tpu.memory_space<hbm>>
      tpu.enqueue_dma source(%dma_start3A_110 : memref<512xi32, #tpu.memory_space<hbm>>) target(%dma_start3A_109 : memref<512xi32, #tpu.memory_space<vmem>>) target_semaphore(%run_scoped3A : memref<!tpu.dma_semaphore, #tpu.memory_space<semaphore_mem>>)
      %dma_wait3A = arith.constant 0 : i32
      %dma_wait3A_111 = tpu.memref_slice %arg5[%dma_wait3A] : memref<528xi32, #tpu.memory_space<vmem>> -> memref<512xi32, #tpu.memory_space<vmem>>
      %dma_wait3A_112 = tpu.memref_slice %arg2[%mul3A_2] : memref<16384xi32, #tpu.memory_space<hbm>> -> memref<512xi32, #tpu.memory_space<hbm>>
      %dma_wait3A_113 = arith.constant 0 : i32
      %dma_wait3A_114 = tpu.memref_slice %arg5[%dma_wait3A_113] : memref<528xi32, #tpu.memory_space<vmem>> -> memref<512xi32, #tpu.memory_space<vmem>>
      %dma_wait3A_115 = tpu.memref_slice %arg2[%mul3A_2] : memref<16384xi32, #tpu.memory_space<hbm>> -> memref<512xi32, #tpu.memory_space<hbm>>
      tpu.wait_dma2 semaphore(%run_scoped3A : memref<!tpu.dma_semaphore, #tpu.memory_space<semaphore_mem>>) src(%dma_wait3A_115 : memref<512xi32, #tpu.memory_space<hbm>>) dst(%dma_wait3A_114 : memref<512xi32, #tpu.memory_space<vmem>>)
      tpu.yield
    }) : () -> ()
    %get3A = arith.constant 0 : index
    %get3A_3 = tpu.vector_load %arg5[%get3A] {strides = array<i32>} : memref<528xi32, #tpu.memory_space<vmem>>, vector<16xi32>,
    %slice3A = vector.extract_strided_slice %get3A_3 {offsets = [0], sizes = [1], strides = [1]} : vector<16xi32> to vector<1xi32>
    %squeeze3A = vector.extract %slice3A[0] : i32 from vector<1xi32>
    %shift_right_arithmetic3A = arith.constant 7 : i32
    %shift_right_arithmetic3A_4 = arith.shrsi %squeeze3A, %shift_right_arithmetic3A : i32
    %shift_left3A = arith.constant 7 : i32
    %shift_left3A_5 = arith.shli %shift_right_arithmetic3A_4, %shift_left3A : i32
    %multiple_of3A = tpu.assume_multiple %shift_left3A_5, 128 : i32
    %dma_start3A = arith.constant 0 : i32
    %dma_start3A_6 = tpu.memref_slice %arg3[%dma_start3A, %multiple_of3A] : memref<64x1000000xf32, #tpu.memory_space<hbm>> -> memref<64x128xf32, #tpu.memory_space<hbm>>
    %dma_start3A_7 = arith.constant 0 : i32
    %dma_start3A_8 = tpu.memref_slice %arg3[%dma_start3A_7, %multiple_of3A] : memref<64x1000000xf32, #tpu.memory_space<hbm>> -> memref<64x128xf32, #tpu.memory_space<hbm>>
    tpu.enqueue_dma source(%dma_start3A_8 : memref<64x128xf32, #tpu.memory_space<hbm>>) target(%arg7 : memref<64x128xf32, #tpu.memory_space<vmem>>) target_semaphore(%arg15 : memref<!tpu.dma_semaphore, #tpu.memory_space<semaphore_mem>>)
    %get3A_9 = arith.constant 0 : index
    %get3A_10 = tpu.vector_load %arg5[%get3A_9] {strides = array<i32>} : memref<528xi32, #tpu.memory_space<vmem>>, vector<16xi32>,
    %slice3A_11 = vector.extract_strided_slice %get3A_10 {offsets = [1], sizes = [1], strides = [1]} : vector<16xi32> to vector<1xi32>
    %squeeze3A_12 = vector.extract %slice3A_11[0] : i32 from vector<1xi32>
    %shift_right_arithmetic3A_13 = arith.constant 7 : i32
    %shift_right_arithmetic3A_14 = arith.shrsi %squeeze3A_12, %shift_right_arithmetic3A_13 : i32
    %shift_left3A_15 = arith.constant 7 : i32
    %shift_left3A_16 = arith.shli %shift_right_arithmetic3A_14, %shift_left3A_15 : i32
    %multiple_of3A_17 = tpu.assume_multiple %shift_left3A_16, 128 : i32
    %dma_start3A_18 = arith.constant 0 : i32
    %dma_start3A_19 = tpu.memref_slice %arg3[%dma_start3A_18, %multiple_of3A_17] : memref<64x1000000xf32, #tpu.memory_space<hbm>> -> memref<64x128xf32, #tpu.memory_space<hbm>>
    %dma_start3A_20 = arith.constant 0 : i32
    %dma_start3A_21 = tpu.memref_slice %arg3[%dma_start3A_20, %multiple_of3A_17] : memref<64x1000000xf32, #tpu.memory_space<hbm>> -> memref<64x128xf32, #tpu.memory_space<hbm>>
    tpu.enqueue_dma source(%dma_start3A_21 : memref<64x128xf32, #tpu.memory_space<hbm>>) target(%arg8 : memref<64x128xf32, #tpu.memory_space<vmem>>) target_semaphore(%arg16 : memref<!tpu.dma_semaphore, #tpu.memory_space<semaphore_mem>>)
    %get3A_22 = arith.constant 0 : index
    %get3A_23 = tpu.vector_load %arg5[%get3A_22] {strides = array<i32>} : memref<528xi32, #tpu.memory_space<vmem>>, vector<16xi32>,
    %slice3A_24 = vector.extract_strided_slice %get3A_23 {offsets = [2], sizes = [1], strides = [1]} : vector<16xi32> to vector<1xi32>
    %squeeze3A_25 = vector.extract %slice3A_24[0] : i32 from vector<1xi32>
    %shift_right_arithmetic3A_26 = arith.constant 7 : i32
    %shift_right_arithmetic3A_27 = arith.shrsi %squeeze3A_25, %shift_right_arithmetic3A_26 : i32
    %shift_left3A_28 = arith.constant 7 : i32
    %shift_left3A_29 = arith.shli %shift_right_arithmetic3A_27, %shift_left3A_28 : i32
    %multiple_of3A_30 = tpu.assume_multiple %shift_left3A_29, 128 : i32
    %dma_start3A_31 = arith.constant 0 : i32
    %dma_start3A_32 = tpu.memref_slice %arg3[%dma_start3A_31, %multiple_of3A_30] : memref<64x1000000xf32, #tpu.memory_space<hbm>> -> memref<64x128xf32, #tpu.memory_space<hbm>>
    %dma_start3A_33 = arith.constant 0 : i32
    %dma_start3A_34 = tpu.memref_slice %arg3[%dma_start3A_33, %multiple_of3A_30] : memref<64x1000000xf32, #tpu.memory_space<hbm>> -> memref<64x128xf32, #tpu.memory_space<hbm>>
    tpu.enqueue_dma source(%dma_start3A_34 : memref<64x128xf32, #tpu.memory_space<hbm>>) target(%arg9 : memref<64x128xf32, #tpu.memory_space<vmem>>) target_semaphore(%arg17 : memref<!tpu.dma_semaphore, #tpu.memory_space<semaphore_mem>>)
    %get3A_35 = arith.constant 0 : index
    %get3A_36 = tpu.vector_load %arg5[%get3A_35] {strides = array<i32>} : memref<528xi32, #tpu.memory_space<vmem>>, vector<16xi32>,
    %slice3A_37 = vector.extract_strided_slice %get3A_36 {offsets = [3], sizes = [1], strides = [1]} : vector<16xi32> to vector<1xi32>
    %squeeze3A_38 = vector.extract %slice3A_37[0] : i32 from vector<1xi32>
    %shift_right_arithmetic3A_39 = arith.constant 7 : i32
    %shift_right_arithmetic3A_40 = arith.shrsi %squeeze3A_38, %shift_right_arithmetic3A_39 : i32
    %shift_left3A_41 = arith.constant 7 : i32
    %shift_left3A_42 = arith.shli %shift_right_arithmetic3A_40, %shift_left3A_41 : i32
    %multiple_of3A_43 = tpu.assume_multiple %shift_left3A_42, 128 : i32
    %dma_start3A_44 = arith.constant 0 : i32
    %dma_start3A_45 = tpu.memref_slice %arg3[%dma_start3A_44, %multiple_of3A_43] : memref<64x1000000xf32, #tpu.memory_space<hbm>> -> memref<64x128xf32, #tpu.memory_space<hbm>>
    %dma_start3A_46 = arith.constant 0 : i32
    %dma_start3A_47 = tpu.memref_slice %arg3[%dma_start3A_46, %multiple_of3A_43] : memref<64x1000000xf32, #tpu.memory_space<hbm>> -> memref<64x128xf32, #tpu.memory_space<hbm>>
    tpu.enqueue_dma source(%dma_start3A_47 : memref<64x128xf32, #tpu.memory_space<hbm>>) target(%arg10 : memref<64x128xf32, #tpu.memory_space<vmem>>) target_semaphore(%arg18 : memref<!tpu.dma_semaphore, #tpu.memory_space<semaphore_mem>>)
    %get3A_48 = arith.constant 0 : index
    %get3A_49 = tpu.vector_load %arg5[%get3A_48] {strides = array<i32>} : memref<528xi32, #tpu.memory_space<vmem>>, vector<16xi32>,
    %slice3A_50 = vector.extract_strided_slice %get3A_49 {offsets = [4], sizes = [1], strides = [1]} : vector<16xi32> to vector<1xi32>
    %squeeze3A_51 = vector.extract %slice3A_50[0] : i32 from vector<1xi32>
    %shift_right_arithmetic3A_52 = arith.constant 7 : i32
    %shift_right_arithmetic3A_53 = arith.shrsi %squeeze3A_51, %shift_right_arithmetic3A_52 : i32
    %shift_left3A_54 = arith.constant 7 : i32
    %shift_left3A_55 = arith.shli %shift_right_arithmetic3A_53, %shift_left3A_54 : i32
    %multiple_of3A_56 = tpu.assume_multiple %shift_left3A_55, 128 : i32
    %dma_start3A_57 = arith.constant 0 : i32
    %dma_start3A_58 = tpu.memref_slice %arg3[%dma_start3A_57, %multiple_of3A_56] : memref<64x1000000xf32, #tpu.memory_space<hbm>> -> memref<64x128xf32, #tpu.memory_space<hbm>>
    %dma_start3A_59 = arith.constant 0 : i32
    %dma_start3A_60 = tpu.memref_slice %arg3[%dma_start3A_59, %multiple_of3A_56] : memref<64x1000000xf32, #tpu.memory_space<hbm>> -> memref<64x128xf32, #tpu.memory_space<hbm>>
    tpu.enqueue_dma source(%dma_start3A_60 : memref<64x128xf32, #tpu.memory_space<hbm>>) target(%arg11 : memref<64x128xf32, #tpu.memory_space<vmem>>) target_semaphore(%arg19 : memref<!tpu.dma_semaphore, #tpu.memory_space<semaphore_mem>>)
    %get3A_61 = arith.constant 0 : index
    %get3A_62 = tpu.vector_load %arg5[%get3A_61] {strides = array<i32>} : memref<528xi32, #tpu.memory_space<vmem>>, vector<16xi32>,
    %slice3A_63 = vector.extract_strided_slice %get3A_62 {offsets = [5], sizes = [1], strides = [1]} : vector<16xi32> to vector<1xi32>
    %squeeze3A_64 = vector.extract %slice3A_63[0] : i32 from vector<1xi32>
    %shift_right_arithmetic3A_65 = arith.constant 7 : i32
    %shift_right_arithmetic3A_66 = arith.shrsi %squeeze3A_64, %shift_right_arithmetic3A_65 : i32
    %shift_left3A_67 = arith.constant 7 : i32
    %shift_left3A_68 = arith.shli %shift_right_arithmetic3A_66, %shift_left3A_67 : i32
    %multiple_of3A_69 = tpu.assume_multiple %shift_left3A_68, 128 : i32
    %dma_start3A_70 = arith.constant 0 : i32
    %dma_start3A_71 = tpu.memref_slice %arg3[%dma_start3A_70, %multiple_of3A_69] : memref<64x1000000xf32, #tpu.memory_space<hbm>> -> memref<64x128xf32, #tpu.memory_space<hbm>>
    %dma_start3A_72 = arith.constant 0 : i32
    %dma_start3A_73 = tpu.memref_slice %arg3[%dma_start3A_72, %multiple_of3A_69] : memref<64x1000000xf32, #tpu.memory_space<hbm>> -> memref<64x128xf32, #tpu.memory_space<hbm>>
    tpu.enqueue_dma source(%dma_start3A_73 : memref<64x128xf32, #tpu.memory_space<hbm>>) target(%arg12 : memref<64x128xf32, #tpu.memory_space<vmem>>) target_semaphore(%arg20 : memref<!tpu.dma_semaphore, #tpu.memory_space<semaphore_mem>>)
    %get3A_74 = arith.constant 0 : index
    %get3A_75 = tpu.vector_load %arg5[%get3A_74] {strides = array<i32>} : memref<528xi32, #tpu.memory_space<vmem>>, vector<16xi32>,
    %slice3A_76 = vector.extract_strided_slice %get3A_75 {offsets = [6], sizes = [1], strides = [1]} : vector<16xi32> to vector<1xi32>
    %squeeze3A_77 = vector.extract %slice3A_76[0] : i32 from vector<1xi32>
    %shift_right_arithmetic3A_78 = arith.constant 7 : i32
    %shift_right_arithmetic3A_79 = arith.shrsi %squeeze3A_77, %shift_right_arithmetic3A_78 : i32
    %shift_left3A_80 = arith.constant 7 : i32
    %shift_left3A_81 = arith.shli %shift_right_arithmetic3A_79, %shift_left3A_80 : i32
    %multiple_of3A_82 = tpu.assume_multiple %shift_left3A_81, 128 : i32
    %dma_start3A_83 = arith.constant 0 : i32
    %dma_start3A_84 = tpu.memref_slice %arg3[%dma_start3A_83, %multiple_of3A_82] : memref<64x1000000xf32, #tpu.memory_space<hbm>> -> memref<64x128xf32, #tpu.memory_space<hbm>>
    %dma_start3A_85 = arith.constant 0 : i32
    %dma_start3A_86 = tpu.memref_slice %arg3[%dma_start3A_85, %multiple_of3A_82] : memref<64x1000000xf32, #tpu.memory_space<hbm>> -> memref<64x128xf32, #tpu.memory_space<hbm>>
    tpu.enqueue_dma source(%dma_start3A_86 : memref<64x128xf32, #tpu.memory_space<hbm>>) target(%arg13 : memref<64x128xf32, #tpu.memory_space<vmem>>) target_semaphore(%arg21 : memref<!tpu.dma_semaphore, #tpu.memory_space<semaphore_mem>>)
    %get3A_87 = arith.constant 0 : index
    %get3A_88 = tpu.vector_load %arg5[%get3A_87] {strides = array<i32>} : memref<528xi32, #tpu.memory_space<vmem>>, vector<16xi32>,
    %slice3A_89 = vector.extract_strided_slice %get3A_88 {offsets = [7], sizes = [1], strides = [1]} : vector<16xi32> to vector<1xi32>
    %squeeze3A_90 = vector.extract %slice3A_89[0] : i32 from vector<1xi32>
    %shift_right_arithmetic3A_91 = arith.constant 7 : i32
    %shift_right_arithmetic3A_92 = arith.shrsi %squeeze3A_90, %shift_right_arithmetic3A_91 : i32
    %shift_left3A_93 = arith.constant 7 : i32
    %shift_left3A_94 = arith.shli %shift_right_arithmetic3A_92, %shift_left3A_93 : i32
    %multiple_of3A_95 = tpu.assume_multiple %shift_left3A_94, 128 : i32
    %dma_start3A_96 = arith.constant 0 : i32
    %dma_start3A_97 = tpu.memref_slice %arg3[%dma_start3A_96, %multiple_of3A_95] : memref<64x1000000xf32, #tpu.memory_space<hbm>> -> memref<64x128xf32, #tpu.memory_space<hbm>>
    %dma_start3A_98 = arith.constant 0 : i32
    %dma_start3A_99 = tpu.memref_slice %arg3[%dma_start3A_98, %multiple_of3A_95] : memref<64x1000000xf32, #tpu.memory_space<hbm>> -> memref<64x128xf32, #tpu.memory_space<hbm>>
    tpu.enqueue_dma source(%dma_start3A_99 : memref<64x128xf32, #tpu.memory_space<hbm>>) target(%arg14 : memref<64x128xf32, #tpu.memory_space<vmem>>) target_semaphore(%arg22 : memref<!tpu.dma_semaphore, #tpu.memory_space<semaphore_mem>>)
    %scan3A = arith.constant 0 : i32
    %scan3A_100 = arith.constant 0 : i32
    %scan3A_101 = arith.constant 64 : i32
    %scan3A_102 = arith.addi %scan3A_100, %scan3A_101 : i32
    %scan3A_103 = arith.constant 1 : i32
    scf.for %scan3A_105 = %scan3A_100 to %scan3A_102 step %scan3A_103  : i32 {
      %dma_wait3A = arith.constant 0 : i32
      %dma_wait3A_106 = arith.constant 0 : i32
      %dma_wait3A_107 = tpu.memref_slice %arg3[%dma_wait3A, %dma_wait3A_106] : memref<64x1000000xf32, #tpu.memory_space<hbm>> -> memref<64x128xf32, #tpu.memory_space<hbm>>
      %dma_wait3A_108 = arith.constant 0 : i32
      %dma_wait3A_109 = arith.constant 0 : i32
      %dma_wait3A_110 = tpu.memref_slice %arg3[%dma_wait3A_108, %dma_wait3A_109] : memref<64x1000000xf32, #tpu.memory_space<hbm>> -> memref<64x128xf32, #tpu.memory_space<hbm>>
      tpu.wait_dma2 semaphore(%arg15 : memref<!tpu.dma_semaphore, #tpu.memory_space<semaphore_mem>>) src(%dma_wait3A_110 : memref<64x128xf32, #tpu.memory_space<hbm>>) dst(%arg7 : memref<64x128xf32, #tpu.memory_space<vmem>>)
      %mul3A_111 = arith.constant 8 : i32
      %mul3A_112 = arith.muli %scan3A_105, %mul3A_111 : i32
      %add3A_113 = arith.constant 0 : i32
      %add3A_114 = arith.addi %mul3A_112, %add3A_113 : i32
      %mul3A_115 = arith.constant 8 : i32
      %mul3A_116 = arith.muli %scan3A_105, %mul3A_115 : i32
      %get3A_117 = arith.index_cast %mul3A_116 : i32 to index
      %get3A_118 = tpu.vector_load %arg5[%get3A_117] {strides = array<i32>} : memref<528xi32, #tpu.memory_space<vmem>>, vector<16xi32>,
      %slice3A_119 = vector.extract_strided_slice %get3A_118 {offsets = [0], sizes = [1], strides = [1]} : vector<16xi32> to vector<1xi32>
      %squeeze3A_120 = vector.extract %slice3A_119[0] : i32 from vector<1xi32>
      %and3A = arith.constant 127 : i32
      %and3A_121 = arith.andi %squeeze3A_120, %and3A : i32
      %broadcast_in_dim3A = vector.broadcast %and3A_121 : i32 to vector<16xi32>
      %broadcast_in_dim3A_122 = vector.broadcast %add3A_114 : i32 to vector<16xi32>
      %iota3A = tpu.iota {dimensions = array<i32: 0>} : vector<16xi32>
      %add3A_123 = arith.constant 0 : i32
      %add3A_124 = vector.broadcast %add3A_123 : i32 to vector<16xi32>
      %add3A_125 = arith.addi %iota3A, %add3A_124 : vector<16xi32>
      %gather3A = tpu.vector_load_idx %arg7[%add3A_125, %broadcast_in_dim3A] : memref<64x128xf32, #tpu.memory_space<vmem>>[vector<16xi32>, vector<16xi32>], vector<16xf32>,
      tpu.vector_store_idx %arg6[%add3A_125, %broadcast_in_dim3A_122], %gather3A : memref<64x512xf32, #tpu.memory_space<vmem>>[vector<16xi32>, vector<16xi32>], vector<16xf32>,
      %iota3A_126 = tpu.iota {dimensions = array<i32: 0>} : vector<16xi32>
      %add3A_127 = arith.constant 16 : i32
      %add3A_128 = vector.broadcast %add3A_127 : i32 to vector<16xi32>
      %add3A_129 = arith.addi %iota3A_126, %add3A_128 : vector<16xi32>
      %gather3A_130 = tpu.vector_load_idx %arg7[%add3A_129, %broadcast_in_dim3A] : memref<64x128xf32, #tpu.memory_space<vmem>>[vector<16xi32>, vector<16xi32>], vector<16xf32>,
      tpu.vector_store_idx %arg6[%add3A_129, %broadcast_in_dim3A_122], %gather3A_130 : memref<64x512xf32, #tpu.memory_space<vmem>>[vector<16xi32>, vector<16xi32>], vector<16xf32>,
      %iota3A_131 = tpu.iota {dimensions = array<i32: 0>} : vector<16xi32>
      %add3A_132 = arith.constant 32 : i32
      %add3A_133 = vector.broadcast %add3A_132 : i32 to vector<16xi32>
      %add3A_134 = arith.addi %iota3A_131, %add3A_133 : vector<16xi32>
      %gather3A_135 = tpu.vector_load_idx %arg7[%add3A_134, %broadcast_in_dim3A] : memref<64x128xf32, #tpu.memory_space<vmem>>[vector<16xi32>, vector<16xi32>], vector<16xf32>,
      tpu.vector_store_idx %arg6[%add3A_134, %broadcast_in_dim3A_122], %gather3A_135 : memref<64x512xf32, #tpu.memory_space<vmem>>[vector<16xi32>, vector<16xi32>], vector<16xf32>,
      %iota3A_136 = tpu.iota {dimensions = array<i32: 0>} : vector<16xi32>
      %add3A_137 = arith.constant 48 : i32
      %add3A_138 = vector.broadcast %add3A_137 : i32 to vector<16xi32>
      %add3A_139 = arith.addi %iota3A_136, %add3A_138 : vector<16xi32>
      %gather3A_140 = tpu.vector_load_idx %arg7[%add3A_139, %broadcast_in_dim3A] : memref<64x128xf32, #tpu.memory_space<vmem>>[vector<16xi32>, vector<16xi32>], vector<16xf32>,
      tpu.vector_store_idx %arg6[%add3A_139, %broadcast_in_dim3A_122], %gather3A_140 : memref<64x512xf32, #tpu.memory_space<vmem>>[vector<16xi32>, vector<16xi32>], vector<16xf32>,
      %lt3A = arith.constant 63 : i32
      %lt3A_141 = arith.cmpi slt, %scan3A_105, %lt3A : i32
      %convert_element_type3A = arith.extui %lt3A_141 : i1 to i32
      %cond3A = arith.constant 0 : i32
      %cond3A_142 = arith.cmpi ne, %convert_element_type3A, %cond3A : i32
      scf.if %cond3A_142 {
        %add3A_458 = arith.constant 1 : i32
        %add3A_459 = arith.addi %scan3A_105, %add3A_458 : i32
        %mul3A_460 = arith.constant 8 : i32
        %mul3A_461 = arith.muli %add3A_459, %mul3A_460 : i32
        %get3A_462 = arith.index_cast %mul3A_461 : i32 to index
        %get3A_463 = tpu.vector_load %arg5[%get3A_462] {strides = array<i32>} : memref<528xi32, #tpu.memory_space<vmem>>, vector<16xi32>,
        %slice3A_464 = vector.extract_strided_slice %get3A_463 {offsets = [0], sizes = [1], strides = [1]} : vector<16xi32> to vector<1xi32>
        %squeeze3A_465 = vector.extract %slice3A_464[0] : i32 from vector<1xi32>
        %shift_right_arithmetic3A_466 = arith.constant 7 : i32
        %shift_right_arithmetic3A_467 = arith.shrsi %squeeze3A_465, %shift_right_arithmetic3A_466 : i32
        %shift_left3A_468 = arith.constant 7 : i32
        %shift_left3A_469 = arith.shli %shift_right_arithmetic3A_467, %shift_left3A_468 : i32
        %multiple_of3A_470 = tpu.assume_multiple %shift_left3A_469, 128 : i32
        %dma_start3A_471 = arith.constant 0 : i32
        %dma_start3A_472 = tpu.memref_slice %arg3[%dma_start3A_471, %multiple_of3A_470] : memref<64x1000000xf32, #tpu.memory_space<hbm>> -> memref<64x128xf32, #tpu.memory_space<hbm>>
        %dma_start3A_473 = arith.constant 0 : i32
        %dma_start3A_474 = tpu.memref_slice %arg3[%dma_start3A_473, %multiple_of3A_470] : memref<64x1000000xf32, #tpu.memory_space<hbm>> -> memref<64x128xf32, #tpu.memory_space<hbm>>
        tpu.enqueue_dma source(%dma_start3A_474 : memref<64x128xf32, #tpu.memory_space<hbm>>) target(%arg7 : memref<64x128xf32, #tpu.memory_space<vmem>>) target_semaphore(%arg15 : memref<!tpu.dma_semaphore, #tpu.memory_space<semaphore_mem>>)
      } else {
      }
      %dma_wait3A_143 = arith.constant 0 : i32
      %dma_wait3A_144 = arith.constant 0 : i32
      %dma_wait3A_145 = tpu.memref_slice %arg3[%dma_wait3A_143, %dma_wait3A_144] : memref<64x1000000xf32, #tpu.memory_space<hbm>> -> memref<64x128xf32, #tpu.memory_space<hbm>>
      %dma_wait3A_146 = arith.constant 0 : i32
      %dma_wait3A_147 = arith.constant 0 : i32
      %dma_wait3A_148 = tpu.memref_slice %arg3[%dma_wait3A_146, %dma_wait3A_147] : memref<64x1000000xf32, #tpu.memory_space<hbm>> -> memref<64x128xf32, #tpu.memory_space<hbm>>
      tpu.wait_dma2 semaphore(%arg16 : memref<!tpu.dma_semaphore, #tpu.memory_space<semaphore_mem>>) src(%dma_wait3A_148 : memref<64x128xf32, #tpu.memory_space<hbm>>) dst(%arg8 : memref<64x128xf32, #tpu.memory_space<vmem>>)
      %mul3A_149 = arith.constant 8 : i32
      %mul3A_150 = arith.muli %scan3A_105, %mul3A_149 : i32
      %add3A_151 = arith.constant 1 : i32
      %add3A_152 = arith.addi %mul3A_150, %add3A_151 : i32
      %mul3A_153 = arith.constant 8 : i32
      %mul3A_154 = arith.muli %scan3A_105, %mul3A_153 : i32
      %get3A_155 = arith.index_cast %mul3A_154 : i32 to index
      %get3A_156 = tpu.vector_load %arg5[%get3A_155] {strides = array<i32>} : memref<528xi32, #tpu.memory_space<vmem>>, vector<16xi32>,
      %slice3A_157 = vector.extract_strided_slice %get3A_156 {offsets = [1], sizes = [1], strides = [1]} : vector<16xi32> to vector<1xi32>
      %squeeze3A_158 = vector.extract %slice3A_157[0] : i32 from vector<1xi32>
      %and3A_159 = arith.constant 127 : i32
      %and3A_160 = arith.andi %squeeze3A_158, %and3A_159 : i32
      %broadcast_in_dim3A_161 = vector.broadcast %and3A_160 : i32 to vector<16xi32>
      %broadcast_in_dim3A_162 = vector.broadcast %add3A_152 : i32 to vector<16xi32>
      %iota3A_163 = tpu.iota {dimensions = array<i32: 0>} : vector<16xi32>
      %add3A_164 = arith.constant 0 : i32
      %add3A_165 = vector.broadcast %add3A_164 : i32 to vector<16xi32>
      %add3A_166 = arith.addi %iota3A_163, %add3A_165 : vector<16xi32>
      %gather3A_167 = tpu.vector_load_idx %arg8[%add3A_166, %broadcast_in_dim3A_161] : memref<64x128xf32, #tpu.memory_space<vmem>>[vector<16xi32>, vector<16xi32>], vector<16xf32>,
      tpu.vector_store_idx %arg6[%add3A_166, %broadcast_in_dim3A_162], %gather3A_167 : memref<64x512xf32, #tpu.memory_space<vmem>>[vector<16xi32>, vector<16xi32>], vector<16xf32>,
      %iota3A_168 = tpu.iota {dimensions = array<i32: 0>} : vector<16xi32>
      %add3A_169 = arith.constant 16 : i32
      %add3A_170 = vector.broadcast %add3A_169 : i32 to vector<16xi32>
      %add3A_171 = arith.addi %iota3A_168, %add3A_170 : vector<16xi32>
      %gather3A_172 = tpu.vector_load_idx %arg8[%add3A_171, %broadcast_in_dim3A_161] : memref<64x128xf32, #tpu.memory_space<vmem>>[vector<16xi32>, vector<16xi32>], vector<16xf32>,
      tpu.vector_store_idx %arg6[%add3A_171, %broadcast_in_dim3A_162], %gather3A_172 : memref<64x512xf32, #tpu.memory_space<vmem>>[vector<16xi32>, vector<16xi32>], vector<16xf32>,
      %iota3A_173 = tpu.iota {dimensions = array<i32: 0>} : vector<16xi32>
      %add3A_174 = arith.constant 32 : i32
      %add3A_175 = vector.broadcast %add3A_174 : i32 to vector<16xi32>
      %add3A_176 = arith.addi %iota3A_173, %add3A_175 : vector<16xi32>
      %gather3A_177 = tpu.vector_load_idx %arg8[%add3A_176, %broadcast_in_dim3A_161] : memref<64x128xf32, #tpu.memory_space<vmem>>[vector<16xi32>, vector<16xi32>], vector<16xf32>,
      tpu.vector_store_idx %arg6[%add3A_176, %broadcast_in_dim3A_162], %gather3A_177 : memref<64x512xf32, #tpu.memory_space<vmem>>[vector<16xi32>, vector<16xi32>], vector<16xf32>,
      %iota3A_178 = tpu.iota {dimensions = array<i32: 0>} : vector<16xi32>
      %add3A_179 = arith.constant 48 : i32
      %add3A_180 = vector.broadcast %add3A_179 : i32 to vector<16xi32>
      %add3A_181 = arith.addi %iota3A_178, %add3A_180 : vector<16xi32>
      %gather3A_182 = tpu.vector_load_idx %arg8[%add3A_181, %broadcast_in_dim3A_161] : memref<64x128xf32, #tpu.memory_space<vmem>>[vector<16xi32>, vector<16xi32>], vector<16xf32>,
      tpu.vector_store_idx %arg6[%add3A_181, %broadcast_in_dim3A_162], %gather3A_182 : memref<64x512xf32, #tpu.memory_space<vmem>>[vector<16xi32>, vector<16xi32>], vector<16xf32>,
      %lt3A_183 = arith.constant 63 : i32
      %lt3A_184 = arith.cmpi slt, %scan3A_105, %lt3A_183 : i32
      %convert_element_type3A_185 = arith.extui %lt3A_184 : i1 to i32
      %cond3A_186 = arith.constant 0 : i32
      %cond3A_187 = arith.cmpi ne, %convert_element_type3A_185, %cond3A_186 : i32
      scf.if %cond3A_187 {
        %add3A_458 = arith.constant 1 : i32
        %add3A_459 = arith.addi %scan3A_105, %add3A_458 : i32
        %mul3A_460 = arith.constant 8 : i32
        %mul3A_461 = arith.muli %add3A_459, %mul3A_460 : i32
        %get3A_462 = arith.index_cast %mul3A_461 : i32 to index
        %get3A_463 = tpu.vector_load %arg5[%get3A_462] {strides = array<i32>} : memref<528xi32, #tpu.memory_space<vmem>>, vector<16xi32>,
        %slice3A_464 = vector.extract_strided_slice %get3A_463 {offsets = [1], sizes = [1], strides = [1]} : vector<16xi32> to vector<1xi32>
        %squeeze3A_465 = vector.extract %slice3A_464[0] : i32 from vector<1xi32>
        %shift_right_arithmetic3A_466 = arith.constant 7 : i32
        %shift_right_arithmetic3A_467 = arith.shrsi %squeeze3A_465, %shift_right_arithmetic3A_466 : i32
        %shift_left3A_468 = arith.constant 7 : i32
        %shift_left3A_469 = arith.shli %shift_right_arithmetic3A_467, %shift_left3A_468 : i32
        %multiple_of3A_470 = tpu.assume_multiple %shift_left3A_469, 128 : i32
        %dma_start3A_471 = arith.constant 0 : i32
        %dma_start3A_472 = tpu.memref_slice %arg3[%dma_start3A_471, %multiple_of3A_470] : memref<64x1000000xf32, #tpu.memory_space<hbm>> -> memref<64x128xf32, #tpu.memory_space<hbm>>
        %dma_start3A_473 = arith.constant 0 : i32
        %dma_start3A_474 = tpu.memref_slice %arg3[%dma_start3A_473, %multiple_of3A_470] : memref<64x1000000xf32, #tpu.memory_space<hbm>> -> memref<64x128xf32, #tpu.memory_space<hbm>>
        tpu.enqueue_dma source(%dma_start3A_474 : memref<64x128xf32, #tpu.memory_space<hbm>>) target(%arg8 : memref<64x128xf32, #tpu.memory_space<vmem>>) target_semaphore(%arg16 : memref<!tpu.dma_semaphore, #tpu.memory_space<semaphore_mem>>)
      } else {
      }
      %dma_wait3A_188 = arith.constant 0 : i32
      %dma_wait3A_189 = arith.constant 0 : i32
      %dma_wait3A_190 = tpu.memref_slice %arg3[%dma_wait3A_188, %dma_wait3A_189] : memref<64x1000000xf32, #tpu.memory_space<hbm>> -> memref<64x128xf32, #tpu.memory_space<hbm>>
      %dma_wait3A_191 = arith.constant 0 : i32
      %dma_wait3A_192 = arith.constant 0 : i32
      %dma_wait3A_193 = tpu.memref_slice %arg3[%dma_wait3A_191, %dma_wait3A_192] : memref<64x1000000xf32, #tpu.memory_space<hbm>> -> memref<64x128xf32, #tpu.memory_space<hbm>>
      tpu.wait_dma2 semaphore(%arg17 : memref<!tpu.dma_semaphore, #tpu.memory_space<semaphore_mem>>) src(%dma_wait3A_193 : memref<64x128xf32, #tpu.memory_space<hbm>>) dst(%arg9 : memref<64x128xf32, #tpu.memory_space<vmem>>)
      %mul3A_194 = arith.constant 8 : i32
      %mul3A_195 = arith.muli %scan3A_105, %mul3A_194 : i32
      %add3A_196 = arith.constant 2 : i32
      %add3A_197 = arith.addi %mul3A_195, %add3A_196 : i32
      %mul3A_198 = arith.constant 8 : i32
      %mul3A_199 = arith.muli %scan3A_105, %mul3A_198 : i32
      %get3A_200 = arith.index_cast %mul3A_199 : i32 to index
      %get3A_201 = tpu.vector_load %arg5[%get3A_200] {strides = array<i32>} : memref<528xi32, #tpu.memory_space<vmem>>, vector<16xi32>,
      %slice3A_202 = vector.extract_strided_slice %get3A_201 {offsets = [2], sizes = [1], strides = [1]} : vector<16xi32> to vector<1xi32>
      %squeeze3A_203 = vector.extract %slice3A_202[0] : i32 from vector<1xi32>
      %and3A_204 = arith.constant 127 : i32
      %and3A_205 = arith.andi %squeeze3A_203, %and3A_204 : i32
      %broadcast_in_dim3A_206 = vector.broadcast %and3A_205 : i32 to vector<16xi32>
      %broadcast_in_dim3A_207 = vector.broadcast %add3A_197 : i32 to vector<16xi32>
      %iota3A_208 = tpu.iota {dimensions = array<i32: 0>} : vector<16xi32>
      %add3A_209 = arith.constant 0 : i32
      %add3A_210 = vector.broadcast %add3A_209 : i32 to vector<16xi32>
      %add3A_211 = arith.addi %iota3A_208, %add3A_210 : vector<16xi32>
      %gather3A_212 = tpu.vector_load_idx %arg9[%add3A_211, %broadcast_in_dim3A_206] : memref<64x128xf32, #tpu.memory_space<vmem>>[vector<16xi32>, vector<16xi32>], vector<16xf32>,
      tpu.vector_store_idx %arg6[%add3A_211, %broadcast_in_dim3A_207], %gather3A_212 : memref<64x512xf32, #tpu.memory_space<vmem>>[vector<16xi32>, vector<16xi32>], vector<16xf32>,
      %iota3A_213 = tpu.iota {dimensions = array<i32: 0>} : vector<16xi32>
      %add3A_214 = arith.constant 16 : i32
      %add3A_215 = vector.broadcast %add3A_214 : i32 to vector<16xi32>
      %add3A_216 = arith.addi %iota3A_213, %add3A_215 : vector<16xi32>
      %gather3A_217 = tpu.vector_load_idx %arg9[%add3A_216, %broadcast_in_dim3A_206] : memref<64x128xf32, #tpu.memory_space<vmem>>[vector<16xi32>, vector<16xi32>], vector<16xf32>,
      tpu.vector_store_idx %arg6[%add3A_216, %broadcast_in_dim3A_207], %gather3A_217 : memref<64x512xf32, #tpu.memory_space<vmem>>[vector<16xi32>, vector<16xi32>], vector<16xf32>,
      %iota3A_218 = tpu.iota {dimensions = array<i32: 0>} : vector<16xi32>
      %add3A_219 = arith.constant 32 : i32
      %add3A_220 = vector.broadcast %add3A_219 : i32 to vector<16xi32>
      %add3A_221 = arith.addi %iota3A_218, %add3A_220 : vector<16xi32>
      %gather3A_222 = tpu.vector_load_idx %arg9[%add3A_221, %broadcast_in_dim3A_206] : memref<64x128xf32, #tpu.memory_space<vmem>>[vector<16xi32>, vector<16xi32>], vector<16xf32>,
      tpu.vector_store_idx %arg6[%add3A_221, %broadcast_in_dim3A_207], %gather3A_222 : memref<64x512xf32, #tpu.memory_space<vmem>>[vector<16xi32>, vector<16xi32>], vector<16xf32>,
      %iota3A_223 = tpu.iota {dimensions = array<i32: 0>} : vector<16xi32>
      %add3A_224 = arith.constant 48 : i32
      %add3A_225 = vector.broadcast %add3A_224 : i32 to vector<16xi32>
      %add3A_226 = arith.addi %iota3A_223, %add3A_225 : vector<16xi32>
      %gather3A_227 = tpu.vector_load_idx %arg9[%add3A_226, %broadcast_in_dim3A_206] : memref<64x128xf32, #tpu.memory_space<vmem>>[vector<16xi32>, vector<16xi32>], vector<16xf32>,
      tpu.vector_store_idx %arg6[%add3A_226, %broadcast_in_dim3A_207], %gather3A_227 : memref<64x512xf32, #tpu.memory_space<vmem>>[vector<16xi32>, vector<16xi32>], vector<16xf32>,
      %lt3A_228 = arith.constant 63 : i32
      %lt3A_229 = arith.cmpi slt, %scan3A_105, %lt3A_228 : i32
      %convert_element_type3A_230 = arith.extui %lt3A_229 : i1 to i32
      %cond3A_231 = arith.constant 0 : i32
      %cond3A_232 = arith.cmpi ne, %convert_element_type3A_230, %cond3A_231 : i32
      scf.if %cond3A_232 {
        %add3A_458 = arith.constant 1 : i32
        %add3A_459 = arith.addi %scan3A_105, %add3A_458 : i32
        %mul3A_460 = arith.constant 8 : i32
        %mul3A_461 = arith.muli %add3A_459, %mul3A_460 : i32
        %get3A_462 = arith.index_cast %mul3A_461 : i32 to index
        %get3A_463 = tpu.vector_load %arg5[%get3A_462] {strides = array<i32>} : memref<528xi32, #tpu.memory_space<vmem>>, vector<16xi32>,
        %slice3A_464 = vector.extract_strided_slice %get3A_463 {offsets = [2], sizes = [1], strides = [1]} : vector<16xi32> to vector<1xi32>
        %squeeze3A_465 = vector.extract %slice3A_464[0] : i32 from vector<1xi32>
        %shift_right_arithmetic3A_466 = arith.constant 7 : i32
        %shift_right_arithmetic3A_467 = arith.shrsi %squeeze3A_465, %shift_right_arithmetic3A_466 : i32
        %shift_left3A_468 = arith.constant 7 : i32
        %shift_left3A_469 = arith.shli %shift_right_arithmetic3A_467, %shift_left3A_468 : i32
        %multiple_of3A_470 = tpu.assume_multiple %shift_left3A_469, 128 : i32
        %dma_start3A_471 = arith.constant 0 : i32
        %dma_start3A_472 = tpu.memref_slice %arg3[%dma_start3A_471, %multiple_of3A_470] : memref<64x1000000xf32, #tpu.memory_space<hbm>> -> memref<64x128xf32, #tpu.memory_space<hbm>>
        %dma_start3A_473 = arith.constant 0 : i32
        %dma_start3A_474 = tpu.memref_slice %arg3[%dma_start3A_473, %multiple_of3A_470] : memref<64x1000000xf32, #tpu.memory_space<hbm>> -> memref<64x128xf32, #tpu.memory_space<hbm>>
        tpu.enqueue_dma source(%dma_start3A_474 : memref<64x128xf32, #tpu.memory_space<hbm>>) target(%arg9 : memref<64x128xf32, #tpu.memory_space<vmem>>) target_semaphore(%arg17 : memref<!tpu.dma_semaphore, #tpu.memory_space<semaphore_mem>>)
      } else {
      }
      %dma_wait3A_233 = arith.constant 0 : i32
      %dma_wait3A_234 = arith.constant 0 : i32
      %dma_wait3A_235 = tpu.memref_slice %arg3[%dma_wait3A_233, %dma_wait3A_234] : memref<64x1000000xf32, #tpu.memory_space<hbm>> -> memref<64x128xf32, #tpu.memory_space<hbm>>
      %dma_wait3A_236 = arith.constant 0 : i32
      %dma_wait3A_237 = arith.constant 0 : i32
      %dma_wait3A_238 = tpu.memref_slice %arg3[%dma_wait3A_236, %dma_wait3A_237] : memref<64x1000000xf32, #tpu.memory_space<hbm>> -> memref<64x128xf32, #tpu.memory_space<hbm>>
      tpu.wait_dma2 semaphore(%arg18 : memref<!tpu.dma_semaphore, #tpu.memory_space<semaphore_mem>>) src(%dma_wait3A_238 : memref<64x128xf32, #tpu.memory_space<hbm>>) dst(%arg10 : memref<64x128xf32, #tpu.memory_space<vmem>>)
      %mul3A_239 = arith.constant 8 : i32
      %mul3A_240 = arith.muli %scan3A_105, %mul3A_239 : i32
      %add3A_241 = arith.constant 3 : i32
      %add3A_242 = arith.addi %mul3A_240, %add3A_241 : i32
      %mul3A_243 = arith.constant 8 : i32
      %mul3A_244 = arith.muli %scan3A_105, %mul3A_243 : i32
      %get3A_245 = arith.index_cast %mul3A_244 : i32 to index
      %get3A_246 = tpu.vector_load %arg5[%get3A_245] {strides = array<i32>} : memref<528xi32, #tpu.memory_space<vmem>>, vector<16xi32>,
      %slice3A_247 = vector.extract_strided_slice %get3A_246 {offsets = [3], sizes = [1], strides = [1]} : vector<16xi32> to vector<1xi32>
      %squeeze3A_248 = vector.extract %slice3A_247[0] : i32 from vector<1xi32>
      %and3A_249 = arith.constant 127 : i32
      %and3A_250 = arith.andi %squeeze3A_248, %and3A_249 : i32
      %broadcast_in_dim3A_251 = vector.broadcast %and3A_250 : i32 to vector<16xi32>
      %broadcast_in_dim3A_252 = vector.broadcast %add3A_242 : i32 to vector<16xi32>
      %iota3A_253 = tpu.iota {dimensions = array<i32: 0>} : vector<16xi32>
      %add3A_254 = arith.constant 0 : i32
      %add3A_255 = vector.broadcast %add3A_254 : i32 to vector<16xi32>
      %add3A_256 = arith.addi %iota3A_253, %add3A_255 : vector<16xi32>
      %gather3A_257 = tpu.vector_load_idx %arg10[%add3A_256, %broadcast_in_dim3A_251] : memref<64x128xf32, #tpu.memory_space<vmem>>[vector<16xi32>, vector<16xi32>], vector<16xf32>,
      tpu.vector_store_idx %arg6[%add3A_256, %broadcast_in_dim3A_252], %gather3A_257 : memref<64x512xf32, #tpu.memory_space<vmem>>[vector<16xi32>, vector<16xi32>], vector<16xf32>,
      %iota3A_258 = tpu.iota {dimensions = array<i32: 0>} : vector<16xi32>
      %add3A_259 = arith.constant 16 : i32
      %add3A_260 = vector.broadcast %add3A_259 : i32 to vector<16xi32>
      %add3A_261 = arith.addi %iota3A_258, %add3A_260 : vector<16xi32>
      %gather3A_262 = tpu.vector_load_idx %arg10[%add3A_261, %broadcast_in_dim3A_251] : memref<64x128xf32, #tpu.memory_space<vmem>>[vector<16xi32>, vector<16xi32>], vector<16xf32>,
      tpu.vector_store_idx %arg6[%add3A_261, %broadcast_in_dim3A_252], %gather3A_262 : memref<64x512xf32, #tpu.memory_space<vmem>>[vector<16xi32>, vector<16xi32>], vector<16xf32>,
      %iota3A_263 = tpu.iota {dimensions = array<i32: 0>} : vector<16xi32>
      %add3A_264 = arith.constant 32 : i32
      %add3A_265 = vector.broadcast %add3A_264 : i32 to vector<16xi32>
      %add3A_266 = arith.addi %iota3A_263, %add3A_265 : vector<16xi32>
      %gather3A_267 = tpu.vector_load_idx %arg10[%add3A_266, %broadcast_in_dim3A_251] : memref<64x128xf32, #tpu.memory_space<vmem>>[vector<16xi32>, vector<16xi32>], vector<16xf32>,
      tpu.vector_store_idx %arg6[%add3A_266, %broadcast_in_dim3A_252], %gather3A_267 : memref<64x512xf32, #tpu.memory_space<vmem>>[vector<16xi32>, vector<16xi32>], vector<16xf32>,
      %iota3A_268 = tpu.iota {dimensions = array<i32: 0>} : vector<16xi32>
      %add3A_269 = arith.constant 48 : i32
      %add3A_270 = vector.broadcast %add3A_269 : i32 to vector<16xi32>
      %add3A_271 = arith.addi %iota3A_268, %add3A_270 : vector<16xi32>
      %gather3A_272 = tpu.vector_load_idx %arg10[%add3A_271, %broadcast_in_dim3A_251] : memref<64x128xf32, #tpu.memory_space<vmem>>[vector<16xi32>, vector<16xi32>], vector<16xf32>,
      tpu.vector_store_idx %arg6[%add3A_271, %broadcast_in_dim3A_252], %gather3A_272 : memref<64x512xf32, #tpu.memory_space<vmem>>[vector<16xi32>, vector<16xi32>], vector<16xf32>,
      %lt3A_273 = arith.constant 63 : i32
      %lt3A_274 = arith.cmpi slt, %scan3A_105, %lt3A_273 : i32
      %convert_element_type3A_275 = arith.extui %lt3A_274 : i1 to i32
      %cond3A_276 = arith.constant 0 : i32
      %cond3A_277 = arith.cmpi ne, %convert_element_type3A_275, %cond3A_276 : i32
      scf.if %cond3A_277 {
        %add3A_458 = arith.constant 1 : i32
        %add3A_459 = arith.addi %scan3A_105, %add3A_458 : i32
        %mul3A_460 = arith.constant 8 : i32
        %mul3A_461 = arith.muli %add3A_459, %mul3A_460 : i32
        %get3A_462 = arith.index_cast %mul3A_461 : i32 to index
        %get3A_463 = tpu.vector_load %arg5[%get3A_462] {strides = array<i32>} : memref<528xi32, #tpu.memory_space<vmem>>, vector<16xi32>,
        %slice3A_464 = vector.extract_strided_slice %get3A_463 {offsets = [3], sizes = [1], strides = [1]} : vector<16xi32> to vector<1xi32>
        %squeeze3A_465 = vector.extract %slice3A_464[0] : i32 from vector<1xi32>
        %shift_right_arithmetic3A_466 = arith.constant 7 : i32
        %shift_right_arithmetic3A_467 = arith.shrsi %squeeze3A_465, %shift_right_arithmetic3A_466 : i32
        %shift_left3A_468 = arith.constant 7 : i32
        %shift_left3A_469 = arith.shli %shift_right_arithmetic3A_467, %shift_left3A_468 : i32
        %multiple_of3A_470 = tpu.assume_multiple %shift_left3A_469, 128 : i32
        %dma_start3A_471 = arith.constant 0 : i32
        %dma_start3A_472 = tpu.memref_slice %arg3[%dma_start3A_471, %multiple_of3A_470] : memref<64x1000000xf32, #tpu.memory_space<hbm>> -> memref<64x128xf32, #tpu.memory_space<hbm>>
        %dma_start3A_473 = arith.constant 0 : i32
        %dma_start3A_474 = tpu.memref_slice %arg3[%dma_start3A_473, %multiple_of3A_470] : memref<64x1000000xf32, #tpu.memory_space<hbm>> -> memref<64x128xf32, #tpu.memory_space<hbm>>
        tpu.enqueue_dma source(%dma_start3A_474 : memref<64x128xf32, #tpu.memory_space<hbm>>) target(%arg10 : memref<64x128xf32, #tpu.memory_space<vmem>>) target_semaphore(%arg18 : memref<!tpu.dma_semaphore, #tpu.memory_space<semaphore_mem>>)
      } else {
      }
      %dma_wait3A_278 = arith.constant 0 : i32
      %dma_wait3A_279 = arith.constant 0 : i32
      %dma_wait3A_280 = tpu.memref_slice %arg3[%dma_wait3A_278, %dma_wait3A_279] : memref<64x1000000xf32, #tpu.memory_space<hbm>> -> memref<64x128xf32, #tpu.memory_space<hbm>>
      %dma_wait3A_281 = arith.constant 0 : i32
      %dma_wait3A_282 = arith.constant 0 : i32
      %dma_wait3A_283 = tpu.memref_slice %arg3[%dma_wait3A_281, %dma_wait3A_282] : memref<64x1000000xf32, #tpu.memory_space<hbm>> -> memref<64x128xf32, #tpu.memory_space<hbm>>
      tpu.wait_dma2 semaphore(%arg19 : memref<!tpu.dma_semaphore, #tpu.memory_space<semaphore_mem>>) src(%dma_wait3A_283 : memref<64x128xf32, #tpu.memory_space<hbm>>) dst(%arg11 : memref<64x128xf32, #tpu.memory_space<vmem>>)
      %mul3A_284 = arith.constant 8 : i32
      %mul3A_285 = arith.muli %scan3A_105, %mul3A_284 : i32
      %add3A_286 = arith.constant 4 : i32
      %add3A_287 = arith.addi %mul3A_285, %add3A_286 : i32
      %mul3A_288 = arith.constant 8 : i32
      %mul3A_289 = arith.muli %scan3A_105, %mul3A_288 : i32
      %get3A_290 = arith.index_cast %mul3A_289 : i32 to index
      %get3A_291 = tpu.vector_load %arg5[%get3A_290] {strides = array<i32>} : memref<528xi32, #tpu.memory_space<vmem>>, vector<16xi32>,
      %slice3A_292 = vector.extract_strided_slice %get3A_291 {offsets = [4], sizes = [1], strides = [1]} : vector<16xi32> to vector<1xi32>
      %squeeze3A_293 = vector.extract %slice3A_292[0] : i32 from vector<1xi32>
      %and3A_294 = arith.constant 127 : i32
      %and3A_295 = arith.andi %squeeze3A_293, %and3A_294 : i32
      %broadcast_in_dim3A_296 = vector.broadcast %and3A_295 : i32 to vector<16xi32>
      %broadcast_in_dim3A_297 = vector.broadcast %add3A_287 : i32 to vector<16xi32>
      %iota3A_298 = tpu.iota {dimensions = array<i32: 0>} : vector<16xi32>
      %add3A_299 = arith.constant 0 : i32
      %add3A_300 = vector.broadcast %add3A_299 : i32 to vector<16xi32>
      %add3A_301 = arith.addi %iota3A_298, %add3A_300 : vector<16xi32>
      %gather3A_302 = tpu.vector_load_idx %arg11[%add3A_301, %broadcast_in_dim3A_296] : memref<64x128xf32, #tpu.memory_space<vmem>>[vector<16xi32>, vector<16xi32>], vector<16xf32>,
      tpu.vector_store_idx %arg6[%add3A_301, %broadcast_in_dim3A_297], %gather3A_302 : memref<64x512xf32, #tpu.memory_space<vmem>>[vector<16xi32>, vector<16xi32>], vector<16xf32>,
      %iota3A_303 = tpu.iota {dimensions = array<i32: 0>} : vector<16xi32>
      %add3A_304 = arith.constant 16 : i32
      %add3A_305 = vector.broadcast %add3A_304 : i32 to vector<16xi32>
      %add3A_306 = arith.addi %iota3A_303, %add3A_305 : vector<16xi32>
      %gather3A_307 = tpu.vector_load_idx %arg11[%add3A_306, %broadcast_in_dim3A_296] : memref<64x128xf32, #tpu.memory_space<vmem>>[vector<16xi32>, vector<16xi32>], vector<16xf32>,
      tpu.vector_store_idx %arg6[%add3A_306, %broadcast_in_dim3A_297], %gather3A_307 : memref<64x512xf32, #tpu.memory_space<vmem>>[vector<16xi32>, vector<16xi32>], vector<16xf32>,
      %iota3A_308 = tpu.iota {dimensions = array<i32: 0>} : vector<16xi32>
      %add3A_309 = arith.constant 32 : i32
      %add3A_310 = vector.broadcast %add3A_309 : i32 to vector<16xi32>
      %add3A_311 = arith.addi %iota3A_308, %add3A_310 : vector<16xi32>
      %gather3A_312 = tpu.vector_load_idx %arg11[%add3A_311, %broadcast_in_dim3A_296] : memref<64x128xf32, #tpu.memory_space<vmem>>[vector<16xi32>, vector<16xi32>], vector<16xf32>,
      tpu.vector_store_idx %arg6[%add3A_311, %broadcast_in_dim3A_297], %gather3A_312 : memref<64x512xf32, #tpu.memory_space<vmem>>[vector<16xi32>, vector<16xi32>], vector<16xf32>,
      %iota3A_313 = tpu.iota {dimensions = array<i32: 0>} : vector<16xi32>
      %add3A_314 = arith.constant 48 : i32
      %add3A_315 = vector.broadcast %add3A_314 : i32 to vector<16xi32>
      %add3A_316 = arith.addi %iota3A_313, %add3A_315 : vector<16xi32>
      %gather3A_317 = tpu.vector_load_idx %arg11[%add3A_316, %broadcast_in_dim3A_296] : memref<64x128xf32, #tpu.memory_space<vmem>>[vector<16xi32>, vector<16xi32>], vector<16xf32>,
      tpu.vector_store_idx %arg6[%add3A_316, %broadcast_in_dim3A_297], %gather3A_317 : memref<64x512xf32, #tpu.memory_space<vmem>>[vector<16xi32>, vector<16xi32>], vector<16xf32>,
      %lt3A_318 = arith.constant 63 : i32
      %lt3A_319 = arith.cmpi slt, %scan3A_105, %lt3A_318 : i32
      %convert_element_type3A_320 = arith.extui %lt3A_319 : i1 to i32
      %cond3A_321 = arith.constant 0 : i32
      %cond3A_322 = arith.cmpi ne, %convert_element_type3A_320, %cond3A_321 : i32
      scf.if %cond3A_322 {
        %add3A_458 = arith.constant 1 : i32
        %add3A_459 = arith.addi %scan3A_105, %add3A_458 : i32
        %mul3A_460 = arith.constant 8 : i32
        %mul3A_461 = arith.muli %add3A_459, %mul3A_460 : i32
        %get3A_462 = arith.index_cast %mul3A_461 : i32 to index
        %get3A_463 = tpu.vector_load %arg5[%get3A_462] {strides = array<i32>} : memref<528xi32, #tpu.memory_space<vmem>>, vector<16xi32>,
        %slice3A_464 = vector.extract_strided_slice %get3A_463 {offsets = [4], sizes = [1], strides = [1]} : vector<16xi32> to vector<1xi32>
        %squeeze3A_465 = vector.extract %slice3A_464[0] : i32 from vector<1xi32>
        %shift_right_arithmetic3A_466 = arith.constant 7 : i32
        %shift_right_arithmetic3A_467 = arith.shrsi %squeeze3A_465, %shift_right_arithmetic3A_466 : i32
        %shift_left3A_468 = arith.constant 7 : i32
        %shift_left3A_469 = arith.shli %shift_right_arithmetic3A_467, %shift_left3A_468 : i32
        %multiple_of3A_470 = tpu.assume_multiple %shift_left3A_469, 128 : i32
        %dma_start3A_471 = arith.constant 0 : i32
        %dma_start3A_472 = tpu.memref_slice %arg3[%dma_start3A_471, %multiple_of3A_470] : memref<64x1000000xf32, #tpu.memory_space<hbm>> -> memref<64x128xf32, #tpu.memory_space<hbm>>
        %dma_start3A_473 = arith.constant 0 : i32
        %dma_start3A_474 = tpu.memref_slice %arg3[%dma_start3A_473, %multiple_of3A_470] : memref<64x1000000xf32, #tpu.memory_space<hbm>> -> memref<64x128xf32, #tpu.memory_space<hbm>>
        tpu.enqueue_dma source(%dma_start3A_474 : memref<64x128xf32, #tpu.memory_space<hbm>>) target(%arg11 : memref<64x128xf32, #tpu.memory_space<vmem>>) target_semaphore(%arg19 : memref<!tpu.dma_semaphore, #tpu.memory_space<semaphore_mem>>)
      } else {
      }
      %dma_wait3A_323 = arith.constant 0 : i32
      %dma_wait3A_324 = arith.constant 0 : i32
      %dma_wait3A_325 = tpu.memref_slice %arg3[%dma_wait3A_323, %dma_wait3A_324] : memref<64x1000000xf32, #tpu.memory_space<hbm>> -> memref<64x128xf32, #tpu.memory_space<hbm>>
      %dma_wait3A_326 = arith.constant 0 : i32
      %dma_wait3A_327 = arith.constant 0 : i32
      %dma_wait3A_328 = tpu.memref_slice %arg3[%dma_wait3A_326, %dma_wait3A_327] : memref<64x1000000xf32, #tpu.memory_space<hbm>> -> memref<64x128xf32, #tpu.memory_space<hbm>>
      tpu.wait_dma2 semaphore(%arg20 : memref<!tpu.dma_semaphore, #tpu.memory_space<semaphore_mem>>) src(%dma_wait3A_328 : memref<64x128xf32, #tpu.memory_space<hbm>>) dst(%arg12 : memref<64x128xf32, #tpu.memory_space<vmem>>)
      %mul3A_329 = arith.constant 8 : i32
      %mul3A_330 = arith.muli %scan3A_105, %mul3A_329 : i32
      %add3A_331 = arith.constant 5 : i32
      %add3A_332 = arith.addi %mul3A_330, %add3A_331 : i32
      %mul3A_333 = arith.constant 8 : i32
      %mul3A_334 = arith.muli %scan3A_105, %mul3A_333 : i32
      %get3A_335 = arith.index_cast %mul3A_334 : i32 to index
      %get3A_336 = tpu.vector_load %arg5[%get3A_335] {strides = array<i32>} : memref<528xi32, #tpu.memory_space<vmem>>, vector<16xi32>,
      %slice3A_337 = vector.extract_strided_slice %get3A_336 {offsets = [5], sizes = [1], strides = [1]} : vector<16xi32> to vector<1xi32>
      %squeeze3A_338 = vector.extract %slice3A_337[0] : i32 from vector<1xi32>
      %and3A_339 = arith.constant 127 : i32
      %and3A_340 = arith.andi %squeeze3A_338, %and3A_339 : i32
      %broadcast_in_dim3A_341 = vector.broadcast %and3A_340 : i32 to vector<16xi32>
      %broadcast_in_dim3A_342 = vector.broadcast %add3A_332 : i32 to vector<16xi32>
      %iota3A_343 = tpu.iota {dimensions = array<i32: 0>} : vector<16xi32>
      %add3A_344 = arith.constant 0 : i32
      %add3A_345 = vector.broadcast %add3A_344 : i32 to vector<16xi32>
      %add3A_346 = arith.addi %iota3A_343, %add3A_345 : vector<16xi32>
      %gather3A_347 = tpu.vector_load_idx %arg12[%add3A_346, %broadcast_in_dim3A_341] : memref<64x128xf32, #tpu.memory_space<vmem>>[vector<16xi32>, vector<16xi32>], vector<16xf32>,
      tpu.vector_store_idx %arg6[%add3A_346, %broadcast_in_dim3A_342], %gather3A_347 : memref<64x512xf32, #tpu.memory_space<vmem>>[vector<16xi32>, vector<16xi32>], vector<16xf32>,
      %iota3A_348 = tpu.iota {dimensions = array<i32: 0>} : vector<16xi32>
      %add3A_349 = arith.constant 16 : i32
      %add3A_350 = vector.broadcast %add3A_349 : i32 to vector<16xi32>
      %add3A_351 = arith.addi %iota3A_348, %add3A_350 : vector<16xi32>
      %gather3A_352 = tpu.vector_load_idx %arg12[%add3A_351, %broadcast_in_dim3A_341] : memref<64x128xf32, #tpu.memory_space<vmem>>[vector<16xi32>, vector<16xi32>], vector<16xf32>,
      tpu.vector_store_idx %arg6[%add3A_351, %broadcast_in_dim3A_342], %gather3A_352 : memref<64x512xf32, #tpu.memory_space<vmem>>[vector<16xi32>, vector<16xi32>], vector<16xf32>,
      %iota3A_353 = tpu.iota {dimensions = array<i32: 0>} : vector<16xi32>
      %add3A_354 = arith.constant 32 : i32
      %add3A_355 = vector.broadcast %add3A_354 : i32 to vector<16xi32>
      %add3A_356 = arith.addi %iota3A_353, %add3A_355 : vector<16xi32>
      %gather3A_357 = tpu.vector_load_idx %arg12[%add3A_356, %broadcast_in_dim3A_341] : memref<64x128xf32, #tpu.memory_space<vmem>>[vector<16xi32>, vector<16xi32>], vector<16xf32>,
      tpu.vector_store_idx %arg6[%add3A_356, %broadcast_in_dim3A_342], %gather3A_357 : memref<64x512xf32, #tpu.memory_space<vmem>>[vector<16xi32>, vector<16xi32>], vector<16xf32>,
      %iota3A_358 = tpu.iota {dimensions = array<i32: 0>} : vector<16xi32>
      %add3A_359 = arith.constant 48 : i32
      %add3A_360 = vector.broadcast %add3A_359 : i32 to vector<16xi32>
      %add3A_361 = arith.addi %iota3A_358, %add3A_360 : vector<16xi32>
      %gather3A_362 = tpu.vector_load_idx %arg12[%add3A_361, %broadcast_in_dim3A_341] : memref<64x128xf32, #tpu.memory_space<vmem>>[vector<16xi32>, vector<16xi32>], vector<16xf32>,
      tpu.vector_store_idx %arg6[%add3A_361, %broadcast_in_dim3A_342], %gather3A_362 : memref<64x512xf32, #tpu.memory_space<vmem>>[vector<16xi32>, vector<16xi32>], vector<16xf32>,
      %lt3A_363 = arith.constant 63 : i32
      %lt3A_364 = arith.cmpi slt, %scan3A_105, %lt3A_363 : i32
      %convert_element_type3A_365 = arith.extui %lt3A_364 : i1 to i32
      %cond3A_366 = arith.constant 0 : i32
      %cond3A_367 = arith.cmpi ne, %convert_element_type3A_365, %cond3A_366 : i32
      scf.if %cond3A_367 {
        %add3A_458 = arith.constant 1 : i32
        %add3A_459 = arith.addi %scan3A_105, %add3A_458 : i32
        %mul3A_460 = arith.constant 8 : i32
        %mul3A_461 = arith.muli %add3A_459, %mul3A_460 : i32
        %get3A_462 = arith.index_cast %mul3A_461 : i32 to index
        %get3A_463 = tpu.vector_load %arg5[%get3A_462] {strides = array<i32>} : memref<528xi32, #tpu.memory_space<vmem>>, vector<16xi32>,
        %slice3A_464 = vector.extract_strided_slice %get3A_463 {offsets = [5], sizes = [1], strides = [1]} : vector<16xi32> to vector<1xi32>
        %squeeze3A_465 = vector.extract %slice3A_464[0] : i32 from vector<1xi32>
        %shift_right_arithmetic3A_466 = arith.constant 7 : i32
        %shift_right_arithmetic3A_467 = arith.shrsi %squeeze3A_465, %shift_right_arithmetic3A_466 : i32
        %shift_left3A_468 = arith.constant 7 : i32
        %shift_left3A_469 = arith.shli %shift_right_arithmetic3A_467, %shift_left3A_468 : i32
        %multiple_of3A_470 = tpu.assume_multiple %shift_left3A_469, 128 : i32
        %dma_start3A_471 = arith.constant 0 : i32
        %dma_start3A_472 = tpu.memref_slice %arg3[%dma_start3A_471, %multiple_of3A_470] : memref<64x1000000xf32, #tpu.memory_space<hbm>> -> memref<64x128xf32, #tpu.memory_space<hbm>>
        %dma_start3A_473 = arith.constant 0 : i32
        %dma_start3A_474 = tpu.memref_slice %arg3[%dma_start3A_473, %multiple_of3A_470] : memref<64x1000000xf32, #tpu.memory_space<hbm>> -> memref<64x128xf32, #tpu.memory_space<hbm>>
        tpu.enqueue_dma source(%dma_start3A_474 : memref<64x128xf32, #tpu.memory_space<hbm>>) target(%arg12 : memref<64x128xf32, #tpu.memory_space<vmem>>) target_semaphore(%arg20 : memref<!tpu.dma_semaphore, #tpu.memory_space<semaphore_mem>>)
      } else {
      }
      %dma_wait3A_368 = arith.constant 0 : i32
      %dma_wait3A_369 = arith.constant 0 : i32
      %dma_wait3A_370 = tpu.memref_slice %arg3[%dma_wait3A_368, %dma_wait3A_369] : memref<64x1000000xf32, #tpu.memory_space<hbm>> -> memref<64x128xf32, #tpu.memory_space<hbm>>
      %dma_wait3A_371 = arith.constant 0 : i32
      %dma_wait3A_372 = arith.constant 0 : i32
      %dma_wait3A_373 = tpu.memref_slice %arg3[%dma_wait3A_371, %dma_wait3A_372] : memref<64x1000000xf32, #tpu.memory_space<hbm>> -> memref<64x128xf32, #tpu.memory_space<hbm>>
      tpu.wait_dma2 semaphore(%arg21 : memref<!tpu.dma_semaphore, #tpu.memory_space<semaphore_mem>>) src(%dma_wait3A_373 : memref<64x128xf32, #tpu.memory_space<hbm>>) dst(%arg13 : memref<64x128xf32, #tpu.memory_space<vmem>>)
      %mul3A_374 = arith.constant 8 : i32
      %mul3A_375 = arith.muli %scan3A_105, %mul3A_374 : i32
      %add3A_376 = arith.constant 6 : i32
      %add3A_377 = arith.addi %mul3A_375, %add3A_376 : i32
      %mul3A_378 = arith.constant 8 : i32
      %mul3A_379 = arith.muli %scan3A_105, %mul3A_378 : i32
      %get3A_380 = arith.index_cast %mul3A_379 : i32 to index
      %get3A_381 = tpu.vector_load %arg5[%get3A_380] {strides = array<i32>} : memref<528xi32, #tpu.memory_space<vmem>>, vector<16xi32>,
      %slice3A_382 = vector.extract_strided_slice %get3A_381 {offsets = [6], sizes = [1], strides = [1]} : vector<16xi32> to vector<1xi32>
      %squeeze3A_383 = vector.extract %slice3A_382[0] : i32 from vector<1xi32>
      %and3A_384 = arith.constant 127 : i32
      %and3A_385 = arith.andi %squeeze3A_383, %and3A_384 : i32
      %broadcast_in_dim3A_386 = vector.broadcast %and3A_385 : i32 to vector<16xi32>
      %broadcast_in_dim3A_387 = vector.broadcast %add3A_377 : i32 to vector<16xi32>
      %iota3A_388 = tpu.iota {dimensions = array<i32: 0>} : vector<16xi32>
      %add3A_389 = arith.constant 0 : i32
      %add3A_390 = vector.broadcast %add3A_389 : i32 to vector<16xi32>
      %add3A_391 = arith.addi %iota3A_388, %add3A_390 : vector<16xi32>
      %gather3A_392 = tpu.vector_load_idx %arg13[%add3A_391, %broadcast_in_dim3A_386] : memref<64x128xf32, #tpu.memory_space<vmem>>[vector<16xi32>, vector<16xi32>], vector<16xf32>,
      tpu.vector_store_idx %arg6[%add3A_391, %broadcast_in_dim3A_387], %gather3A_392 : memref<64x512xf32, #tpu.memory_space<vmem>>[vector<16xi32>, vector<16xi32>], vector<16xf32>,
      %iota3A_393 = tpu.iota {dimensions = array<i32: 0>} : vector<16xi32>
      %add3A_394 = arith.constant 16 : i32
      %add3A_395 = vector.broadcast %add3A_394 : i32 to vector<16xi32>
      %add3A_396 = arith.addi %iota3A_393, %add3A_395 : vector<16xi32>
      %gather3A_397 = tpu.vector_load_idx %arg13[%add3A_396, %broadcast_in_dim3A_386] : memref<64x128xf32, #tpu.memory_space<vmem>>[vector<16xi32>, vector<16xi32>], vector<16xf32>,
      tpu.vector_store_idx %arg6[%add3A_396, %broadcast_in_dim3A_387], %gather3A_397 : memref<64x512xf32, #tpu.memory_space<vmem>>[vector<16xi32>, vector<16xi32>], vector<16xf32>,
      %iota3A_398 = tpu.iota {dimensions = array<i32: 0>} : vector<16xi32>
      %add3A_399 = arith.constant 32 : i32
      %add3A_400 = vector.broadcast %add3A_399 : i32 to vector<16xi32>
      %add3A_401 = arith.addi %iota3A_398, %add3A_400 : vector<16xi32>
      %gather3A_402 = tpu.vector_load_idx %arg13[%add3A_401, %broadcast_in_dim3A_386] : memref<64x128xf32, #tpu.memory_space<vmem>>[vector<16xi32>, vector<16xi32>], vector<16xf32>,
      tpu.vector_store_idx %arg6[%add3A_401, %broadcast_in_dim3A_387], %gather3A_402 : memref<64x512xf32, #tpu.memory_space<vmem>>[vector<16xi32>, vector<16xi32>], vector<16xf32>,
      %iota3A_403 = tpu.iota {dimensions = array<i32: 0>} : vector<16xi32>
      %add3A_404 = arith.constant 48 : i32
      %add3A_405 = vector.broadcast %add3A_404 : i32 to vector<16xi32>
      %add3A_406 = arith.addi %iota3A_403, %add3A_405 : vector<16xi32>
      %gather3A_407 = tpu.vector_load_idx %arg13[%add3A_406, %broadcast_in_dim3A_386] : memref<64x128xf32, #tpu.memory_space<vmem>>[vector<16xi32>, vector<16xi32>], vector<16xf32>,
      tpu.vector_store_idx %arg6[%add3A_406, %broadcast_in_dim3A_387], %gather3A_407 : memref<64x512xf32, #tpu.memory_space<vmem>>[vector<16xi32>, vector<16xi32>], vector<16xf32>,
      %lt3A_408 = arith.constant 63 : i32
      %lt3A_409 = arith.cmpi slt, %scan3A_105, %lt3A_408 : i32
      %convert_element_type3A_410 = arith.extui %lt3A_409 : i1 to i32
      %cond3A_411 = arith.constant 0 : i32
      %cond3A_412 = arith.cmpi ne, %convert_element_type3A_410, %cond3A_411 : i32
      scf.if %cond3A_412 {
        %add3A_458 = arith.constant 1 : i32
        %add3A_459 = arith.addi %scan3A_105, %add3A_458 : i32
        %mul3A_460 = arith.constant 8 : i32
        %mul3A_461 = arith.muli %add3A_459, %mul3A_460 : i32
        %get3A_462 = arith.index_cast %mul3A_461 : i32 to index
        %get3A_463 = tpu.vector_load %arg5[%get3A_462] {strides = array<i32>} : memref<528xi32, #tpu.memory_space<vmem>>, vector<16xi32>,
        %slice3A_464 = vector.extract_strided_slice %get3A_463 {offsets = [6], sizes = [1], strides = [1]} : vector<16xi32> to vector<1xi32>
        %squeeze3A_465 = vector.extract %slice3A_464[0] : i32 from vector<1xi32>
        %shift_right_arithmetic3A_466 = arith.constant 7 : i32
        %shift_right_arithmetic3A_467 = arith.shrsi %squeeze3A_465, %shift_right_arithmetic3A_466 : i32
        %shift_left3A_468 = arith.constant 7 : i32
        %shift_left3A_469 = arith.shli %shift_right_arithmetic3A_467, %shift_left3A_468 : i32
        %multiple_of3A_470 = tpu.assume_multiple %shift_left3A_469, 128 : i32
        %dma_start3A_471 = arith.constant 0 : i32
        %dma_start3A_472 = tpu.memref_slice %arg3[%dma_start3A_471, %multiple_of3A_470] : memref<64x1000000xf32, #tpu.memory_space<hbm>> -> memref<64x128xf32, #tpu.memory_space<hbm>>
        %dma_start3A_473 = arith.constant 0 : i32
        %dma_start3A_474 = tpu.memref_slice %arg3[%dma_start3A_473, %multiple_of3A_470] : memref<64x1000000xf32, #tpu.memory_space<hbm>> -> memref<64x128xf32, #tpu.memory_space<hbm>>
        tpu.enqueue_dma source(%dma_start3A_474 : memref<64x128xf32, #tpu.memory_space<hbm>>) target(%arg13 : memref<64x128xf32, #tpu.memory_space<vmem>>) target_semaphore(%arg21 : memref<!tpu.dma_semaphore, #tpu.memory_space<semaphore_mem>>)
      } else {
      }
      %dma_wait3A_413 = arith.constant 0 : i32
      %dma_wait3A_414 = arith.constant 0 : i32
      %dma_wait3A_415 = tpu.memref_slice %arg3[%dma_wait3A_413, %dma_wait3A_414] : memref<64x1000000xf32, #tpu.memory_space<hbm>> -> memref<64x128xf32, #tpu.memory_space<hbm>>
      %dma_wait3A_416 = arith.constant 0 : i32
      %dma_wait3A_417 = arith.constant 0 : i32
      %dma_wait3A_418 = tpu.memref_slice %arg3[%dma_wait3A_416, %dma_wait3A_417] : memref<64x1000000xf32, #tpu.memory_space<hbm>> -> memref<64x128xf32, #tpu.memory_space<hbm>>
      tpu.wait_dma2 semaphore(%arg22 : memref<!tpu.dma_semaphore, #tpu.memory_space<semaphore_mem>>) src(%dma_wait3A_418 : memref<64x128xf32, #tpu.memory_space<hbm>>) dst(%arg14 : memref<64x128xf32, #tpu.memory_space<vmem>>)
      %mul3A_419 = arith.constant 8 : i32
      %mul3A_420 = arith.muli %scan3A_105, %mul3A_419 : i32
      %add3A_421 = arith.constant 7 : i32
      %add3A_422 = arith.addi %mul3A_420, %add3A_421 : i32
      %mul3A_423 = arith.constant 8 : i32
      %mul3A_424 = arith.muli %scan3A_105, %mul3A_423 : i32
      %get3A_425 = arith.index_cast %mul3A_424 : i32 to index
      %get3A_426 = tpu.vector_load %arg5[%get3A_425] {strides = array<i32>} : memref<528xi32, #tpu.memory_space<vmem>>, vector<16xi32>,
      %slice3A_427 = vector.extract_strided_slice %get3A_426 {offsets = [7], sizes = [1], strides = [1]} : vector<16xi32> to vector<1xi32>
      %squeeze3A_428 = vector.extract %slice3A_427[0] : i32 from vector<1xi32>
      %and3A_429 = arith.constant 127 : i32
      %and3A_430 = arith.andi %squeeze3A_428, %and3A_429 : i32
      %broadcast_in_dim3A_431 = vector.broadcast %and3A_430 : i32 to vector<16xi32>
      %broadcast_in_dim3A_432 = vector.broadcast %add3A_422 : i32 to vector<16xi32>
      %iota3A_433 = tpu.iota {dimensions = array<i32: 0>} : vector<16xi32>
      %add3A_434 = arith.constant 0 : i32
      %add3A_435 = vector.broadcast %add3A_434 : i32 to vector<16xi32>
      %add3A_436 = arith.addi %iota3A_433, %add3A_435 : vector<16xi32>
      %gather3A_437 = tpu.vector_load_idx %arg14[%add3A_436, %broadcast_in_dim3A_431] : memref<64x128xf32, #tpu.memory_space<vmem>>[vector<16xi32>, vector<16xi32>], vector<16xf32>,
      tpu.vector_store_idx %arg6[%add3A_436, %broadcast_in_dim3A_432], %gather3A_437 : memref<64x512xf32, #tpu.memory_space<vmem>>[vector<16xi32>, vector<16xi32>], vector<16xf32>,
      %iota3A_438 = tpu.iota {dimensions = array<i32: 0>} : vector<16xi32>
      %add3A_439 = arith.constant 16 : i32
      %add3A_440 = vector.broadcast %add3A_439 : i32 to vector<16xi32>
      %add3A_441 = arith.addi %iota3A_438, %add3A_440 : vector<16xi32>
      %gather3A_442 = tpu.vector_load_idx %arg14[%add3A_441, %broadcast_in_dim3A_431] : memref<64x128xf32, #tpu.memory_space<vmem>>[vector<16xi32>, vector<16xi32>], vector<16xf32>,
      tpu.vector_store_idx %arg6[%add3A_441, %broadcast_in_dim3A_432], %gather3A_442 : memref<64x512xf32, #tpu.memory_space<vmem>>[vector<16xi32>, vector<16xi32>], vector<16xf32>,
      %iota3A_443 = tpu.iota {dimensions = array<i32: 0>} : vector<16xi32>
      %add3A_444 = arith.constant 32 : i32
      %add3A_445 = vector.broadcast %add3A_444 : i32 to vector<16xi32>
      %add3A_446 = arith.addi %iota3A_443, %add3A_445 : vector<16xi32>
      %gather3A_447 = tpu.vector_load_idx %arg14[%add3A_446, %broadcast_in_dim3A_431] : memref<64x128xf32, #tpu.memory_space<vmem>>[vector<16xi32>, vector<16xi32>], vector<16xf32>,
      tpu.vector_store_idx %arg6[%add3A_446, %broadcast_in_dim3A_432], %gather3A_447 : memref<64x512xf32, #tpu.memory_space<vmem>>[vector<16xi32>, vector<16xi32>], vector<16xf32>,
      %iota3A_448 = tpu.iota {dimensions = array<i32: 0>} : vector<16xi32>
      %add3A_449 = arith.constant 48 : i32
      %add3A_450 = vector.broadcast %add3A_449 : i32 to vector<16xi32>
      %add3A_451 = arith.addi %iota3A_448, %add3A_450 : vector<16xi32>
      %gather3A_452 = tpu.vector_load_idx %arg14[%add3A_451, %broadcast_in_dim3A_431] : memref<64x128xf32, #tpu.memory_space<vmem>>[vector<16xi32>, vector<16xi32>], vector<16xf32>,
      tpu.vector_store_idx %arg6[%add3A_451, %broadcast_in_dim3A_432], %gather3A_452 : memref<64x512xf32, #tpu.memory_space<vmem>>[vector<16xi32>, vector<16xi32>], vector<16xf32>,
      %lt3A_453 = arith.constant 63 : i32
      %lt3A_454 = arith.cmpi slt, %scan3A_105, %lt3A_453 : i32
      %convert_element_type3A_455 = arith.extui %lt3A_454 : i1 to i32
      %cond3A_456 = arith.constant 0 : i32
      %cond3A_457 = arith.cmpi ne, %convert_element_type3A_455, %cond3A_456 : i32
      scf.if %cond3A_457 {
        %add3A_458 = arith.constant 1 : i32
        %add3A_459 = arith.addi %scan3A_105, %add3A_458 : i32
        %mul3A_460 = arith.constant 8 : i32
        %mul3A_461 = arith.muli %add3A_459, %mul3A_460 : i32
        %get3A_462 = arith.index_cast %mul3A_461 : i32 to index
        %get3A_463 = tpu.vector_load %arg5[%get3A_462] {strides = array<i32>} : memref<528xi32, #tpu.memory_space<vmem>>, vector<16xi32>,
        %slice3A_464 = vector.extract_strided_slice %get3A_463 {offsets = [7], sizes = [1], strides = [1]} : vector<16xi32> to vector<1xi32>
        %squeeze3A_465 = vector.extract %slice3A_464[0] : i32 from vector<1xi32>
        %shift_right_arithmetic3A_466 = arith.constant 7 : i32
        %shift_right_arithmetic3A_467 = arith.shrsi %squeeze3A_465, %shift_right_arithmetic3A_466 : i32
        %shift_left3A_468 = arith.constant 7 : i32
        %shift_left3A_469 = arith.shli %shift_right_arithmetic3A_467, %shift_left3A_468 : i32
        %multiple_of3A_470 = tpu.assume_multiple %shift_left3A_469, 128 : i32
        %dma_start3A_471 = arith.constant 0 : i32
        %dma_start3A_472 = tpu.memref_slice %arg3[%dma_start3A_471, %multiple_of3A_470] : memref<64x1000000xf32, #tpu.memory_space<hbm>> -> memref<64x128xf32, #tpu.memory_space<hbm>>
        %dma_start3A_473 = arith.constant 0 : i32
        %dma_start3A_474 = tpu.memref_slice %arg3[%dma_start3A_473, %multiple_of3A_470] : memref<64x1000000xf32, #tpu.memory_space<hbm>> -> memref<64x128xf32, #tpu.memory_space<hbm>>
        tpu.enqueue_dma source(%dma_start3A_474 : memref<64x128xf32, #tpu.memory_space<hbm>>) target(%arg14 : memref<64x128xf32, #tpu.memory_space<vmem>>) target_semaphore(%arg22 : memref<!tpu.dma_semaphore, #tpu.memory_space<semaphore_mem>>)
      } else {
      }
    }
    %scan3A_104 = arith.constant 64 : i32
    "tpu.region"() ({
      %run_scoped3A = tpu.sem_alloc : memref<!tpu.dma_semaphore, #tpu.memory_space<semaphore_mem>>
      %dma_start3A_105 = arith.constant 0 : i32
      %dma_start3A_106 = tpu.memref_slice %arg4[%dma_start3A_105, %mul3A_2] : memref<64x16384xf32, #tpu.memory_space<hbm>> -> memref<64x512xf32, #tpu.memory_space<hbm>>
      %dma_start3A_107 = arith.constant 0 : i32
      %dma_start3A_108 = tpu.memref_slice %arg4[%dma_start3A_107, %mul3A_2] : memref<64x16384xf32, #tpu.memory_space<hbm>> -> memref<64x512xf32, #tpu.memory_space<hbm>>
      tpu.enqueue_dma source(%arg6 : memref<64x512xf32, #tpu.memory_space<vmem>>) target(%dma_start3A_108 : memref<64x512xf32, #tpu.memory_space<hbm>>) target_semaphore(%run_scoped3A : memref<!tpu.dma_semaphore, #tpu.memory_space<semaphore_mem>>)
      %dma_wait3A = arith.constant 0 : i32
      %dma_wait3A_109 = tpu.memref_slice %arg4[%dma_wait3A, %mul3A_2] : memref<64x16384xf32, #tpu.memory_space<hbm>> -> memref<64x512xf32, #tpu.memory_space<hbm>>
      %dma_wait3A_110 = arith.constant 0 : i32
      %dma_wait3A_111 = tpu.memref_slice %arg4[%dma_wait3A_110, %mul3A_2] : memref<64x16384xf32, #tpu.memory_space<hbm>> -> memref<64x512xf32, #tpu.memory_space<hbm>>
      tpu.wait_dma2 semaphore(%run_scoped3A : memref<!tpu.dma_semaphore, #tpu.memory_space<semaphore_mem>>) src(%arg6 : memref<64x512xf32, #tpu.memory_space<vmem>>) dst(%dma_wait3A_111 : memref<64x512xf32, #tpu.memory_space<hbm>>)
      tpu.yield
    }) : () -> ()
    return
  }
}

module attributes {stable_mosaic.version = 14 : i64} {
  func.func @_mlp_t_body(%arg0: i32, %arg1: memref<64x2048xf32, #tpu.memory_space<vmem>>, %arg2: memref<64x64xf32, #tpu.memory_space<vmem>>, %arg3: memref<64x1xf32, #tpu.memory_space<vmem>>, %arg4: memref<64x64xf32, #tpu.memory_space<vmem>>, %arg5: memref<64x1xf32, #tpu.memory_space<vmem>>, %arg6: memref<64x2048xf32, #tpu.memory_space<vmem>>) attributes {dimension_semantics = [#tpu.dimension_semantics<arbitrary>], iteration_bounds = array<i64: 8>, scalar_prefetch = 0 : i64, scratch_operands = 0 : i64, tpu.core_type = #tpu.core_type<tc>, window_params = [{transform_indices = @transform_0, window_bounds = array<i64: 64, 2048>}, {pipeline_mode = #tpu.pipeline_mode<synchronous>, transform_indices = @transform_1, window_bounds = array<i64: 64, 64>}, {pipeline_mode = #tpu.pipeline_mode<synchronous>, transform_indices = @transform_2, window_bounds = array<i64: 64, 1>}, {pipeline_mode = #tpu.pipeline_mode<synchronous>, transform_indices = @transform_3, window_bounds = array<i64: 64, 64>}, {pipeline_mode = #tpu.pipeline_mode<synchronous>, transform_indices = @transform_4, window_bounds = array<i64: 64, 1>}, {transform_indices = @transform_5, window_bounds = array<i64: 64, 2048>}]} {
    %get3A = arith.constant 0 : index
    %get3A_0 = arith.constant 0 : index
    %get3A_1 = vector.load %arg1[%get3A, %get3A_0] : memref<64x2048xf32, #tpu.memory_space<vmem>>, vector<64x2048xf32>
    %get3A_2 = arith.constant 0 : index
    %get3A_3 = arith.constant 0 : index
    %get3A_4 = vector.load %arg2[%get3A_2, %get3A_3] : memref<64x64xf32, #tpu.memory_space<vmem>>, vector<64x64xf32>
    %dot_general3A = arith.constant dense<0.000000e+00> : vector<64x2048xf32>
    %dot_general3A_5 = tpu.matmul %get3A_4, %get3A_1, %dot_general3A {dimension_numbers = #tpu.dot_dimension_numbers<[1], [0], [0], [1], [0, 0, 1, 1], [], []>, transpose_lhs_hint = false} : vector<64x64xf32>, vector<64x2048xf32>, vector<64x2048xf32> -> vector<64x2048xf32>
    %get3A_6 = arith.constant 0 : index
    %get3A_7 = arith.constant 0 : index
    %get3A_8 = vector.load %arg3[%get3A_6, %get3A_7] : memref<64x1xf32, #tpu.memory_space<vmem>>, vector<64x1xf32>
    %add3A = vector.broadcast %get3A_8 : vector<64x1xf32> to vector<64x2048xf32>
    %add3A_9 = arith.addf %dot_general3A_5, %add3A : vector<64x2048xf32>
    %logistic3A = arith.negf %add3A_9 : vector<64x2048xf32>
    %logistic3A_10 = math.exp %logistic3A : vector<64x2048xf32>
    %logistic3A_11 = arith.constant 1.000000e+00 : f32
    %logistic3A_12 = vector.broadcast %logistic3A_11 : f32 to vector<64x2048xf32>
    %logistic3A_13 = arith.addf %logistic3A_12, %logistic3A_10 : vector<64x2048xf32>
    %logistic3A_14 = arith.divf %logistic3A_12, %logistic3A_13 : vector<64x2048xf32>
    %mul3A = arith.mulf %add3A_9, %logistic3A_14 : vector<64x2048xf32>
    %get3A_15 = arith.constant 0 : index
    %get3A_16 = arith.constant 0 : index
    %get3A_17 = vector.load %arg4[%get3A_15, %get3A_16] : memref<64x64xf32, #tpu.memory_space<vmem>>, vector<64x64xf32>
    %dot_general3A_18 = arith.constant dense<0.000000e+00> : vector<64x2048xf32>
    %dot_general3A_19 = tpu.matmul %get3A_17, %mul3A, %dot_general3A_18 {dimension_numbers = #tpu.dot_dimension_numbers<[1], [0], [0], [1], [0, 0, 1, 1], [], []>, transpose_lhs_hint = false} : vector<64x64xf32>, vector<64x2048xf32>, vector<64x2048xf32> -> vector<64x2048xf32>
    %get3A_20 = arith.constant 0 : index
    %get3A_21 = arith.constant 0 : index
    %get3A_22 = vector.load %arg5[%get3A_20, %get3A_21] : memref<64x1xf32, #tpu.memory_space<vmem>>, vector<64x1xf32>
    %add3A_23 = vector.broadcast %get3A_22 : vector<64x1xf32> to vector<64x2048xf32>
    %add3A_24 = arith.addf %dot_general3A_19, %add3A_23 : vector<64x2048xf32>
    %swap3A = arith.constant 0 : index
    %swap3A_25 = arith.constant 0 : index
    %swap3A_26 = vector.load %arg6[%swap3A, %swap3A_25] : memref<64x2048xf32, #tpu.memory_space<vmem>>, vector<64x2048xf32>
    tpu.vector_store %arg6[%swap3A, %swap3A_25], %add3A_24 {strides = array<i32>} : memref<64x2048xf32, #tpu.memory_space<vmem>>, vector<64x2048xf32>,
    return
  }
  func.func @transform_0(%arg0: i32) -> (i32, i32) {
    %c0_i32 = arith.constant 0 : i32
    %c0_i32_0 = arith.constant 0 : i32
    return %c0_i32, %arg0 : i32, i32
  }
  func.func @transform_1(%arg0: i32) -> (i32, i32) {
    %c0_i32 = arith.constant 0 : i32
    %c0_i32_0 = arith.constant 0 : i32
    %c0_i32_1 = arith.constant 0 : i32
    return %c0_i32, %c0_i32_0 : i32, i32
  }
  func.func @transform_2(%arg0: i32) -> (i32, i32) {
    %c0_i32 = arith.constant 0 : i32
    %c0_i32_0 = arith.constant 0 : i32
    %c0_i32_1 = arith.constant 0 : i32
    return %c0_i32, %c0_i32_0 : i32, i32
  }
  func.func @transform_3(%arg0: i32) -> (i32, i32) {
    %c0_i32 = arith.constant 0 : i32
    %c0_i32_0 = arith.constant 0 : i32
    %c0_i32_1 = arith.constant 0 : i32
    return %c0_i32, %c0_i32_0 : i32, i32
  }
  func.func @transform_4(%arg0: i32) -> (i32, i32) {
    %c0_i32 = arith.constant 0 : i32
    %c0_i32_0 = arith.constant 0 : i32
    %c0_i32_1 = arith.constant 0 : i32
    return %c0_i32, %c0_i32_0 : i32, i32
  }
  func.func @transform_5(%arg0: i32) -> (i32, i32) {
    %c0_i32 = arith.constant 0 : i32
    %c0_i32_0 = arith.constant 0 : i32
    return %c0_i32, %arg0 : i32, i32
  }
}

</mosaic_0001>

<sc_bundles>
// kernel: kernel.4.cloned.1.call-start
scs
__scs_entry_jumppad:
0x0: {  	(pc) =	sbr.rel $0x88, $3  }
0x1: {  	(tag) =	ssettag $0x0;
	lr =	simm.s32 $0x1  }
0x2: {  	[smem:$0x3F9B] =	sst lr;
	_ =	strace $0xD0000000  }
0x3: {  	_ = 	snop  }
0x4: {  	_ = 	snop  }
0x5: {  	_ = 	snop  }
0x6: {  	_ = 	snop  }
0x7: {  	_ = 	snop  }
__scs_overlays_trampoline_lowered:
0x8: {  	[smem:$0x3FAA] =	sst s0  }
0x9: {  	[smem:$0x3FAB] =	sst s1  }
0xa: {  	[smem:$0x3FAC] =	sst s2  }
0xb: {  	[smem:$0x3FAD] =	sst s3  }
0xc: {  	[smem:$0x3FAE] =	sst s4  }
0xd: {  	[smem:$0x3FAF] =	sst s5  }
0xe: {  	[smem:$0x3FB0] =	sst s6  }
0xf: {  	[smem:$0x3FB1] =	sst s7  }
0x10: {  	[smem:$0x3FB2] =	sst s8  }
0x11: {  	[smem:$0x3FB3] =	sst s9;
	s0 =	simm.s32 @!p0 $0x0  }
0x12: {  	s1 =	sld [smem:$0x3F99];
	s0 =	simm.s32 @p0 $0x1  }
0x13: {  	[smem:$0x3FB4] =	sst s0;
	s0 =	simm.s32 @!p1 $0x0  }
0x14: {  	s2 =	sld [smem:$0x3F98];
	s0 =	simm.s32 @p1 $0x1  }
0x15: {  	[smem:$0x3FB5] =	sst s0;
	s0 =	simm.s32 @!p2 $0x0  }
0x16: {  	s3 =	sld [smem:$0x3FDB];
	s0 =	simm.s32 @p2 $0x1  }
0x17: {  	s4 =	simm.s32 $0x1BF5;
	[smem:$0x3FB7] =	sst s0  }
0x18: {  	s0 =	sld [smem:$0x3F9A];
	_ =	swait.ge [sflag:s4], $0x0  }
0x19: {  	s7 =	sld [smem:$0x3F9B]  }
0x1a: {  	s8 =	sadd.s32 $0xFFFFE003, lr  }
0x1b: {  	s9 =	sadd.s32 $0xFFFFFEF7, lr;
	s5 =	simm.s32 $0xFFFFFFFF;
	p2 =	slt.u32 s8, $0xFFFFF086  }
0x1c: {  	p1 =	slt.u32 s9, $0xF7A;
	s5 =	simm.s32 @!p2 $0x0  }
0x1d: {  	s5 =	simm.s32 @p1 $0x1;
	p0 =	seq.s32 s7, s2  }
0x1e: {  	s7 =	smul.u32 @!p0 $0xF7A, s2;
	p2 =	seq.s32 @!p0 s5, $0x0  }
0x1f: {  	s9 =	smul.u32 $0xF7A, s1;
	s8 =	simm.s32 @!p0 $0x1BF5;
	p2 =	por !p2, p0  }
0x20: {  	[sflag:s8] =	ssyncset.s32 @!p0 $0xFFFFF086;
	s6 =	sadd.s32 @!p0 s3, s7;
	s7 =	simm.s32 @!p0 $0x108  }
0x21: {  	s3 =	sadd.s32 s3, s9;
	s6 =	sadd.s32 @!p0 $0x88, s6;
	s7 =	simm.s32 @p2 $0x1082  }
0x22: {  	[simem:s7], [sflag:s8] =	dma.local @!p0 [hbm:s6], $0xF7A  }
0x23: {  	s9 =	sor.u32 $0xD0000000, s2;
	s6 =	simm.s32 $0x108;
	_ =	swait.ge @!p0 [sflag:s8], $0x0  }
0x24: {  	s3 =	sadd.s32 $0x88, s3;
	s6 =	simm.s32 @!p1 $0x1082;
	[sflag:s4] =	ssyncset.s32 $0xFFFFF086  }
0x25: {  	[simem:s6], [sflag:s4] =	dma.local [hbm:s3], $0xF7A  }
0x26: {  	[smem:$0x3F9B] =	sst s1;
	(tag) =	ssettag s2;
	_ =	strace s9  }
0x27: {  	s1 =	sld [smem:$0x3FAB]  }
0x28: {  	s2 =	sld [smem:$0x3FAC]  }
0x29: {  	s4 =	sld [smem:$0x3FAE]  }
0x2a: {  	p0 =	seq.s32 s5, $0x0;
	s5 =	sld [smem:$0x3FAF]  }
0x2b: {  	s6 =	sld [smem:$0x3FB0]  }
0x2c: {  	s7 =	sld [smem:$0x3FB1]  }
0x2d: {  	s3 =	simm.s32 $0x108;
	s8 =	sld [smem:$0x3FB2]  }
0x2e: {  	s3 =	simm.s32 @!p0 $0x1082;
	s9 =	sld [smem:$0x3FB3]  }
0x2f: {  	lr =	sadd.s32 s0, s3;
	s0 =	sld [smem:$0x3FAA]  }
0x30: {  	s3 =	sld [smem:$0x3FAD]  }
0x31: {  	[smem:$0x3FB6] =	sst s10  }
0x32: {  	s10 =	sld [smem:$0x3FB4];
	_ =	sdelay $0x3  }
0x33: {  	p0 =	seq.s32 s10, $0x1;
	s10 =	sld [smem:$0x3FB6];
	_ =	sdelay $0x3  }
0x34: {  	[smem:$0x3FB6] =	sst s10  }
0x35: {  	s10 =	sld [smem:$0x3FB5];
	_ =	sdelay $0x3  }
0x36: {  	p1 =	seq.s32 s10, $0x1;
	s10 =	sld [smem:$0x3FB6];
	_ =	sdelay $0x3  }
0x37: {  	[smem:$0x3FB6] =	sst s10  }
0x38: {  	s10 =	sld [smem:$0x3FB7]  }
0x39: {  	_ = 	snop;
	(pc) =	sbr.ind lr, $3  }
0x3a: {  	_ = 	snop  }
0x3b: {  	_ = 	snop  }
0x3c: {  	p2 =	seq.s32 s10, $0x1;
	s10 =	sld [smem:$0x3FB6]  }
0x3d: {  	_ =	shalt  }
0x3e: {  	_ =	shalt  }
0x3f: {  	_ =	shalt  }
0x40: {  	_ =	shalt  }
0x41: {  	_ =	shalt  }
0x42: {  	_ =	shalt  }
0x43: {  	_ =	shalt  }
0x44: {  	_ =	shalt  }
0x45: {  	_ =	shalt  }
0x46: {  	_ =	shalt  }
0x47: {  	_ =	shalt  }
0x48: {  	_ =	shalt  }
0x49: {  	_ =	shalt  }
0x4a: {  	_ =	shalt  }
0x4b: {  	_ =	shalt  }
0x4c: {  	_ =	shalt  }
0x4d: {  	_ =	shalt  }
0x4e: {  	_ =	shalt  }
0x4f: {  	_ =	shalt  }
0x50: {  	_ =	shalt  }
0x51: {  	_ =	shalt  }
0x52: {  	_ =	shalt  }
0x53: {  	_ =	shalt  }
0x54: {  	_ =	shalt  }
0x55: {  	_ =	shalt  }
0x56: {  	_ =	shalt  }
0x57: {  	_ =	shalt  }
0x58: {  	_ =	shalt  }
0x59: {  	_ =	shalt  }
0x5a: {  	_ =	shalt  }
0x5b: {  	_ =	shalt  }
0x5c: {  	_ =	shalt  }
0x5d: {  	_ =	shalt  }
0x5e: {  	_ =	shalt  }
0x5f: {  	_ =	shalt  }
0x60: {  	_ =	shalt  }
0x61: {  	_ =	shalt  }
0x62: {  	_ =	shalt  }
0x63: {  	_ =	shalt  }
0x64: {  	_ =	shalt  }
0x65: {  	_ =	shalt  }
0x66: {  	_ =	shalt  }
0x67: {  	_ =	shalt  }
0x68: {  	_ =	shalt  }
0x69: {  	_ =	shalt  }
0x6a: {  	_ =	shalt  }
0x6b: {  	_ =	shalt  }
0x6c: {  	_ =	shalt  }
0x6d: {  	_ =	shalt  }
0x6e: {  	_ =	shalt  }
0x6f: {  	_ =	shalt  }
0x70: {  	_ =	shalt  }
0x71: {  	_ =	shalt  }
0x72: {  	_ =	shalt  }
0x73: {  	_ =	shalt  }
0x74: {  	_ =	shalt  }
0x75: {  	_ =	shalt  }
0x76: {  	_ =	shalt  }
0x77: {  	_ =	shalt  }
0x78: {  	_ =	shalt  }
0x79: {  	_ =	shalt  }
0x7a: {  	_ =	shalt  }
0x7b: {  	_ =	shalt  }
0x7c: {  	_ =	shalt  }
0x7d: {  	_ =	shalt  }
0x7e: {  	_ =	shalt  }
0x7f: {  	_ =	shalt  }
0x80: {  	_ =	shalt  }
0x81: {  	_ =	shalt  }
0x82: {  	_ =	shalt  }
0x83: {  	_ =	shalt  }
0x84: {  	_ =	shalt  }
0x85: {  	_ =	shalt  }
0x86: {  	_ =	shalt  }
0x87: {  	_ =	shalt  }
.Lfunc_end0:
.L_simem_size_0:
called_computation_lowered:
.L_overlay_start_0:
0x88: {  	s2 =	sld [smem:$0x3FD9]  }
0x89: {  	s3 =	sld [smem:$0x3FFE];
	_ =	sdelay $0x1  }
0x8a: {  	s1 =	srdreg.scid  }
0x8b: {  	s0 =	sand.u32 $0x1, s1  }
0x8c: {  	s18 =	sshll.u32 s0, $0xA;
	s2 =	sadd.s32 s3, s2  }
0x8d: {  	s2 =	sadd.s32 s2, s18  }
0x8e: {  	[smem:$0x3FC2] =	sst s2  }
0x8f: {  	_ = 	snop  }
0x90: {  	s2 =	sld [smem:$0x3FC9]  }
0x91: {  	s19 =	sld [smem:$0x3FC8]  }
0x92: {  	s4 =	sld [smem:$0x3FD0];
	(tm) =	ssettm $0x1  }
0x93: {  	s5 =	sld [smem:$0x3FFB];
	_ =	sdelay $0x3  }
0x94: {  	_ =	strace s5  }
0x95: {  	s5 =	sld [smem:$0x3FFC];
	_ =	sdelay $0x3  }
0x96: {  	_ =	strace s5  }
0x97: {  	s5 =	sld [smem:$0x3FFD];
	_ =	sdelay $0x3  }
0x98: {  	_ =	strace s5  }
0x99: {  	_ =	strace $0x8FFFFFFF  }
0x9a: {  	s20 =	sld [smem:$0x3FDB];
	_ =	sdelay $0x1  }
0x9b: {  	s6 =	simm.s32 $_scs_section_size  }
0x9c: {  	s7 =	simm.s32 $_size__tile_overlayer_lowered;
	s8 =	simm.s32 $_tile_overlayer_lowered  }
0x9d: {  	s23 =	simm.s32 $0x1BFF;
	s22 =	sshll.u32 s8, $0x1;
	s5 =	sadd.s32 s6, s20  }
0x9e: {  	s9 =	simm.s32 $0x0;
	s21 =	sshll.u32 s7, $0x1;
	s7 =	sadd.s32 s22, s5  }
0x9f: {  	[timem:s9], [sflag:s23] =	dma.local [hbm:s7], s21  }
0xa0: {  	_ =	swait.ge [sflag:s23], s21  }
0xa1: {  	s6 =	ssub.s32 $0x0, s21;
	[sflag:s23] =	ssyncset.done $0x0  }
0xa2: {  	[sflag:s23] =	ssyncadd.s32 s6;
	_ =	sdelay $0x1  }
0xa3: {  	s24 =	simm.s32 $0x1B8B  }
0xa4: {  	_ =	swait.ge [sflag:s24], $0x1  }
0xa5: {  	[sflag:s24] =	ssyncset.done $0x0  }
0xa6: {  	s25 =	simm.s32 $0x1B8E;
	[sflag:s24] =	ssyncadd.s32 $0xFFFFFFFF  }
0xa7: {  	s26 =	simm.s32 $execute0_lowered;
	[smem:$0x3FD2] =	sst s25  }
0xa8: {  	s6 =	sshll.u32 s26, $0x1;
	_ =	strace $0x80000046;
	[dreg:$0x1] =	wrdreg $0xFFFFFFFF  }
0xa9: {  	s28 =	simm.s32 $_size_execute0_lowered;
	s5 =	sadd.s32 s5, s6;
	[dreg:$0x0] =	wrdreg $0x0  }
0xaa: {  	s6 =	sshll.u32 s28, $0x1;
	[dreg:$0x2] =	wrdreg s5  }
0xab: {  	[dreg:$0x3] =	wrdreg s6  }
0xac: {  	[dreg:$0x4] =	wrdreg $0xC0  }
0xad: {  	_ =	task [dreg:s9], $0x5FFFF  }
0xae: {  	[dreg:$0x1] =	wrdreg $0xFFFFFFFF  }
0xaf: {  	[dreg:$0x0] =	wrdreg $0x60  }
0xb0: {  	[dreg:$0x2] =	wrdreg s2  }
0xb1: {  	[dreg:$0x3] =	wrdreg s19  }
0xb2: {  	[dreg:$0x4] =	wrdreg s4  }
0xb3: {  	[dreg:$0x5] =	wrdreg $0x9  }
0xb4: {  	_ =	task.clear_ibuf [dreg:s9], $0x6FFFF;
	_ =	strace $0x90000046  }
0xb5: {  	s29 =	simm.s32 $0x9;
	_ =	strace $0x80000048  }
0xb6: {  	_ =	swait.ge [sflag:s29], $0x1  }
0xb7: {  	[sflag:s29] =	ssyncadd.s32 $0xFFFFFFFF  }
0xb8: {  	_ =	strace $0x90000048  }
0xb9: {  	_ =	sfence  }
0xba: {  	s30 =	sld [smem:$0x0];
	_ =	sdelay $0x2  }
0xbb: {  	s31 =	sshll.u32 s1, $0xD;
	s1 =	sshrl.u32 s1, $0x2  }
0xbc: {  	s3 =	sand.u32 $0x4000, s31;
	s1 =	sadd.s32 s1, s30  }
0xbd: {  	s0 =	sor.u32 s3, s0;
	s1 =	sshll.u32 s1, $0x11  }
0xbe: {  	s0 =	sor.u32 s1, s0  }
0xbf: {  	s0 =	sadd.s32 $0x8F2B, s0  }
0xc0: {  	[sflag:s0] =	ssyncadd.remote.s32 $0x1  }
0xc1: {  	_ =	sfence.sel $0xFFFF  }
0xc2: {  	[dreg:$0x0] =	wrdreg $0xFFFFFFFF;
	(pc) =	sbr.abs _section_cstart, $3  }
0xc3: {  	[dreg:$0x1] =	wrdreg $0xFFFFFFFF  }
0xc4: {  	_ =	task.clear_ibuf [dreg:s9], $0x2FFFF;
	_ =	strace $0x9FFFFFFF  }
0xc5: {  	(tm) =	ssettm $0x7FFFFFFF  }
tec
execute0_lowered:
.L_overlay_start_1:
0x0: {  	(tag) =	ssettag $0x1  }
0x1: {  	v0 =	vimm.s32 $0x1380;
	vm14 =	vcmask $0x300;
	vm13 =	vcmask $0x704  }
0x2: {  	vm12 =	vcmask $0xB08;
	vm11 =	vcmask $0xF0C;
	vm10 =	vcmask $0x1310  }
0x3: {  	vm9 =	vcmask $0x1714;
	vm8 =	vcmask $0x1B18;
	vm7 =	vcmask $0x1F1C  }
0x4: {  	vm6 =	vcmask $0x2320;
	vm5 =	vcmask $0x2724;
	vm4 =	vcmask $0x2B28  }
0x5: {  	vm3 =	vcmask $0x2F2C;
	v1 =	vlaneseq.u32;
	vm2 =	vcmask $0x3330  }
0x6: {  	vm1 =	vcmask $0x3734;
	vm0 =	vcmask $0x3B38;
	v3 =	vimm.s32 $0x3380  }
0x7: {  	v4 =	vimm.s32 $0x5380;
	v5 =	vimm.s32 $0x7380;
	v0 =	vsel vm14, $0x0, v0  }
0x8: {  	v3 =	vsel vm14, $0x2000, v3;
	v4 =	vsel vm14, $0x4000, v4;
	v5 =	vsel vm14, $0x6000, v5  }
0x9: {  	v0 =	vsel vm13, $0x80, v0;
	v3 =	vsel vm13, $0x2080, v3;
	v4 =	vsel vm13, $0x4080, v4  }
0xa: {  	v5 =	vsel vm13, $0x6080, v5;
	v0 =	vsel vm12, $0x100, v0;
	v3 =	vsel vm12, $0x2100, v3  }
0xb: {  	v4 =	vsel vm12, $0x4100, v4;
	v5 =	vsel vm12, $0x6100, v5;
	v0 =	vsel vm11, $0x180, v0  }
0xc: {  	v3 =	vsel vm11, $0x2180, v3;
	v4 =	vsel vm11, $0x4180, v4;
	v5 =	vsel vm11, $0x6180, v5  }
0xd: {  	s1 =	rddreg [dreg:$0x0];
	v0 =	vsel vm10, $0x200, v0;
	v3 =	vsel vm10, $0x2200, v3;
	v4 =	vsel vm10, $0x4200, v4  }
0xe: {  	s0 =	rddreg [dreg:$0x1];
	v5 =	vsel vm10, $0x6200, v5;
	v0 =	vsel vm9, $0x280, v0;
	v3 =	vsel vm9, $0x2280, v3  }
0xf: {  	s2 =	rddreg [dreg:$0x2];
	v4 =	vsel vm9, $0x4280, v4;
	v5 =	vsel vm9, $0x6280, v5;
	v0 =	vsel vm8, $0x300, v0  }
0x10: {  	s3 =	srdreg.scid;
	s4 =	stileid.u32;
	v3 =	vsel vm8, $0x2300, v3;
	v4 =	vsel vm8, $0x4300, v4;
	v5 =	vsel vm8, $0x6300, v5  }
0x11: {  	s6 =	simm.s32 $0x0;
	s7 =	simm.s32 $0x9;
	s8 =	simm.s32 $0x7A1400;
	v0 =	vsel vm7, $0x380, v0;
	v3 =	vsel vm7, $0x2380, v3;
	v4 =	vsel vm7, $0x4380, v4  }
0x12: {  	s9 =	simm.s32 $0x400;
	s10 =	simm.s32 $0x8280;
	s11 =	simm.s32 $0xA280;
	v5 =	vsel vm7, $0x6380, v5;
	v0 =	vsel vm6, $0x1000, v0;
	v3 =	vsel vm6, $0x3000, v3  }
0x13: {  	s12 =	simm.s32 $0xC280;
	s13 =	simm.s32 $0xE280;
	s14 =	simm.s32 $0x10280;
	v4 =	vsel vm6, $0x5000, v4;
	v5 =	vsel vm6, $0x7000, v5;
	v0 =	vsel vm5, $0x1080, v0  }
0x14: {  	s15 =	simm.s32 $0x12280;
	s16 =	simm.s32 $0x14280;
	s17 =	simm.s32 $0x16280;
	v3 =	vsel vm5, $0x3080, v3;
	v4 =	vsel vm5, $0x5080, v4;
	v5 =	vsel vm5, $0x7080, v5  }
0x15: {  	s18 =	simm.s32 $0x1;
	s19 =	simm.s32 $0x280;
	s20 =	simm.s32 $0x2;
	v0 =	vsel vm4, $0x1100, v0;
	v3 =	vsel vm4, $0x3100, v3;
	v4 =	vsel vm4, $0x5100, v4  }
0x16: {  	s21 =	simm.s32 $0x3;
	s22 =	simm.s32 $0x4;
	s23 =	simm.s32 $0x5;
	v5 =	vsel vm4, $0x7100, v5;
	v2 =	vsel vm3, $0x1180, v0;
	v0 =	vmul.u32 $0x80, v1  }
0x17: {  	s24 =	simm.s32 $0x6;
	s25 =	simm.s32 $0x7;
	s26 =	simm.s32 $0x8;
	v3 =	vsel vm3, $0x3180, v3;
	v4 =	vsel vm3, $0x5180, v4;
	v5 =	vsel vm3, $0x7180, v5  }
.Ltmp0:
0x18: {  	s30 =	simm.s32 $0x0;
	s3 =	sand.u32 $0x1, s3;
	v1 =	vsel vm2, $0x1200, v2;
	v3 =	vsel vm2, $0x3200, v3;
	v6 =	vsel vm2, $0x5200, v4;
	(pc) =	sbr.rel .LBB2_1-.Ltmp0, $4  }
0x19: {  	s4 =	sshll.u32 s4, $0xA;
	s5 =	sshll.u32 s3, $0x9;
	s3 =	ssub.s32 $0x2, s3;
	v5 =	vsel vm2, $0x7200, v5;
	v1 =	vsel vm1, $0x1280, v1;
	v2 =	vor.u32 $0x800, v0  }
0x1a: {  	[smem:$0x7FF] =	sst s6;
	s5 =	sor.u32 s5, s4;
	s29 =	sshrl.u32 s3, $0x1;
	v3 =	vsel vm1, $0x3280, v3;
	v4 =	vor.u32 $0x1000, v0;
	v6 =	vsel vm1, $0x5280, v6  }
0x1b: {  	_ =	strace $0x80000047;
	s31 =	sshrl.u32 s5, $0x3;
	s3 =	ssub.s32 s3, s29;
	v7 =	vsel vm1, $0x7280, v5;
	v1 =	vsel vm0, $0x1300, v1;
	v3 =	vsel vm0, $0x3300, v3  }
0x1c: {  	s5 =	sadd.s32 s2, s5;
	s4 =	sadd.s32 s1, s31;
	s6 =	smax.u32 s3, $0x1;
	v5 =	vsel vm0, $0x5300, v6;
	v6 =	vor.u32 $0x1800, v0;
	v7 =	vsel vm0, $0x7300, v7  }
.LBB2_4:
0x1d: {  	s30 =	sadd.s32 $0x1, s30  }
0x1e: {  	p0 =	sne.s32 s30, s6  }
.Ltmp1:
0x1f: {  	s1 =	simm.s32 $0x1000;
	s2 =	simm.s32 $0x20000;
	(pc) =	sbr.rel @!p0 .LBB2_5-.Ltmp1, $4  }
0x20: {  	[hbm4b:s5+s1] =	stream.strided.scatter [tilespmem:s19], [sflag:$0x9], $0x8000, s2, s1, $0x38;
	[tilespmem:$0x18280] =	vst v63  }
0x21: {  	_ =	swait.ge [sflag:s7], $0x8000  }
0x22: {  	[sflag:s7] =	ssyncset.done $0x0  }
0x23: {  	[sflag:s7] =	ssyncadd.s32 $0xFFFF8000  }
.LBB2_1:
0x24: {  	s1 =	simm.s32 $0x0  }
0x25: {  	[tilespmem:s1], [sflag:$0x9] =	stream.linear.gather [hbm4b:s4+s1], $0x200, $0x38;
	[tilespmem:$0x18280] =	vst v63  }
0x26: {  	_ =	swait.ge [sflag:s7], $0x200  }
0x27: {  	[sflag:s7] =	ssyncset.done $0x0  }
0x28: {  	[sflag:s7] =	ssyncadd.s32 $0xFFFFFE00  }
0x29: {  	v8 =	vld [tilespmem:$0x0];
	_ =	sdelay $0x4  }
0x2a: {  	(v2sf) =	vpush v8, $0x0;
	_ =	sdelay $0xe  }
0x2b: {  	s2 =	spop (v2sf)  }
0x2c: {  	s1 =	sand.u32 $0xFFFFF80, s2  }
0x2d: {  	s1 =	sadd.s32 s0, s1  }
0x2e: {  	[tilespmem:s10], [sflag:$0x1] =	stream.strided.gather [hbm4b:s1+s9], $0x2000, s8, s9, $0x38;
	[tilespmem:$0x18280] =	vst v63  }
0x2f: {  	v8 =	vld [tilespmem:$0x0];
	_ =	sdelay $0x4  }
0x30: {  	(v2sf) =	vpush v8, $0x1;
	_ =	sdelay $0xe  }
0x31: {  	s3 =	spop (v2sf)  }
0x32: {  	s1 =	sand.u32 $0xFFFFF80, s3  }
0x33: {  	s1 =	sadd.s32 s0, s1  }
0x34: {  	[tilespmem:s11], [sflag:$0x2] =	stream.strided.gather [hbm4b:s1+s9], $0x2000, s8, s9, $0x38;
	[tilespmem:$0x18280] =	vst v63  }
0x35: {  	v8 =	vld [tilespmem:$0x0];
	_ =	sdelay $0x4  }
0x36: {  	(v2sf) =	vpush v8, $0x2;
	_ =	sdelay $0xe  }
0x37: {  	s28 =	spop (v2sf)  }
0x38: {  	s1 =	sand.u32 $0xFFFFF80, s28  }
0x39: {  	s1 =	sadd.s32 s0, s1  }
0x3a: {  	[tilespmem:s12], [sflag:$0x3] =	stream.strided.gather [hbm4b:s1+s9], $0x2000, s8, s9, $0x38;
	[tilespmem:$0x18280] =	vst v63  }
0x3b: {  	v8 =	vld [tilespmem:$0x0];
	_ =	sdelay $0x4  }
0x3c: {  	(v2sf) =	vpush v8, $0x3;
	_ =	sdelay $0xe  }
0x3d: {  	s29 =	spop (v2sf)  }
0x3e: {  	s1 =	sand.u32 $0xFFFFF80, s29  }
0x3f: {  	s1 =	sadd.s32 s0, s1  }
0x40: {  	[tilespmem:s13], [sflag:$0x4] =	stream.strided.gather [hbm4b:s1+s9], $0x2000, s8, s9, $0x38;
	[tilespmem:$0x18280] =	vst v63  }
0x41: {  	v8 =	vld [tilespmem:$0x0];
	_ =	sdelay $0x4  }
0x42: {  	(v2sf) =	vpush v8, $0x4;
	_ =	sdelay $0xe  }
0x43: {  	s2 =	spop (v2sf)  }
0x44: {  	s1 =	sand.u32 $0xFFFFF80, s2  }
0x45: {  	s1 =	sadd.s32 s0, s1  }
0x46: {  	[tilespmem:s14], [sflag:$0x5] =	stream.strided.gather [hbm4b:s1+s9], $0x2000, s8, s9, $0x38;
	[tilespmem:$0x18280] =	vst v63  }
0x47: {  	v8 =	vld [tilespmem:$0x0];
	_ =	sdelay $0x4  }
0x48: {  	(v2sf) =	vpush v8, $0x5;
	_ =	sdelay $0xe  }
0x49: {  	s3 =	spop (v2sf)  }
0x4a: {  	s1 =	sand.u32 $0xFFFFF80, s3  }
0x4b: {  	s1 =	sadd.s32 s0, s1  }
0x4c: {  	[tilespmem:s15], [sflag:$0x6] =	stream.strided.gather [hbm4b:s1+s9], $0x2000, s8, s9, $0x38;
	[tilespmem:$0x18280] =	vst v63  }
0x4d: {  	v8 =	vld [tilespmem:$0x0];
	_ =	sdelay $0x4  }
0x4e: {  	(v2sf) =	vpush v8, $0x6;
	_ =	sdelay $0xe  }
0x4f: {  	s28 =	spop (v2sf)  }
0x50: {  	s1 =	sand.u32 $0xFFFFF80, s28  }
0x51: {  	s1 =	sadd.s32 s0, s1  }
0x52: {  	[tilespmem:s16], [sflag:$0x7] =	stream.strided.gather [hbm4b:s1+s9], $0x2000, s8, s9, $0x38;
	[tilespmem:$0x18280] =	vst v63  }
0x53: {  	v8 =	vld [tilespmem:$0x0];
	_ =	sdelay $0x4  }
0x54: {  	(v2sf) =	vpush v8, $0x7;
	_ =	sdelay $0xe  }
0x55: {  	s29 =	spop (v2sf)  }
0x56: {  	s1 =	sand.u32 $0xFFFFF80, s29  }
0x57: {  	s1 =	sadd.s32 s0, s1  }
0x58: {  	[tilespmem:s17], [sflag:$0x8] =	stream.strided.gather [hbm4b:s1+s9], $0x2000, s8, s9, $0x38;
	[tilespmem:$0x18280] =	vst v63  }
0x59: {  	s31 =	simm.s32 $0x8;
	s1 =	simm.s32 $0x7  }
.LBB2_2:
0x5a: {  	_ =	swait.ge [sflag:s18], $0x2000  }
0x5b: {  	[sflag:s18] =	ssyncset.done $0x0  }
0x5c: {  	[sflag:s18] =	ssyncadd.s32 $0xFFFFE000  }
0x5d: {  	v8 =	vld [tilespmem:s31+$0xFFFFFFF8];
	_ =	sdelay $0x4  }
0x5e: {  	(v2sf) =	vpush v8, $0x0;
	_ =	sdelay $0xe  }
0x5f: {  	s2 =	spop (v2sf)  }
0x60: {  	s2 =	sand.u32 $0x7F, s2  }
0x61: {  	s3 =	sadd.s32 $0xFFFFFFF9, s1;
	v8 =	vor.u32 s2, v0  }
0x62: {  	v9 =	vmov s3  }
0x63: {  	v10 =	vshll.u32 v9, $0x3  }
0x64: {  	v9 =	vand.u32 $0x78, v9;
	v10 =	vand.u32 $0xC00, v10  }
0x65: {  	v9 =	vor.u32 v9, v10  }
0x66: {  	v10 =	vor.u32 v1, v9;
	v8 =	vld.idx.msk [tilespmem:v8+s10+$0x0], $0xffff  }
0x67: {  	v11 =	vor.u32 s2, v2;
	_ =	sdelay $0x3  }
0x68: {  	[tilespmem:v10+s19+$0x0] =	vst.idx.msk $0xffff, v8  }
0x69: {  	v63 =	vor.u32 v3, v9;
	v8 =	vld.idx.msk [tilespmem:v11+s10+$0x0], $0xffff  }
0x6a: {  	v12 =	vor.u32 s2, v4;
	_ =	sdelay $0x3  }
0x6b: {  	[tilespmem:v63+s19+$0x0] =	vst.idx.msk $0xffff, v8  }
0x6c: {  	v13 =	vor.u32 v5, v9;
	v8 =	vld.idx.msk [tilespmem:v12+s10+$0x0], $0xffff  }
0x6d: {  	v14 =	vor.u32 s2, v6;
	_ =	sdelay $0x3  }
0x6e: {  	[tilespmem:v13+s19+$0x0] =	vst.idx.msk $0xffff, v8  }
0x6f: {  	v9 =	vor.u32 v7, v9;
	v8 =	vld.idx.msk [tilespmem:v14+s10+$0x0], $0xffff;
	_ =	sdelay $0x4  }
0x70: {  	p0 =	seq.s32 s1, $0x1FF;
	[tilespmem:v9+s19+$0x0] =	vst.idx.msk $0xffff, v8  }
0x71: {  	v8 =	vld @!p0 [tilespmem:s31+$0x0];
	_ =	sdelay $0x4  }
0x72: {  	(v2sf) =	vpush @!p0 v8, $0x0;
	_ =	sdelay $0xe  }
0x73: {  	s2 =	spop @!p0 (v2sf)  }
0x74: {  	s3 =	simm.s32 @!p0 $0x7A1400;
	s2 =	sand.u32 @!p0 $0xFFFFF80, s2  }
0x75: {  	s29 =	simm.s32 @!p0 $0x8280;
	s28 =	sadd.s32 @!p0 s0, s2;
	s2 =	simm.s32 @!p0 $0x400  }
0x76: {  	[tilespmem:s29], [sflag:$0x1] =	stream.strided.gather @!p0 [hbm4b:s28+s2], $0x2000, s3, s2, $0x38;
	[tilespmem:$0x18280] =	vst v63  }
0x77: {  	_ =	swait.ge [sflag:s20], $0x2000  }
0x78: {  	[sflag:s20] =	ssyncset.done $0x0  }
0x79: {  	[sflag:s20] =	ssyncadd.s32 $0xFFFFE000  }
0x7a: {  	v8 =	vld [tilespmem:s31+$0xFFFFFFF8];
	_ =	sdelay $0x4  }
0x7b: {  	(v2sf) =	vpush v8, $0x1;
	_ =	sdelay $0xe  }
0x7c: {  	s29 =	spop (v2sf)  }
0x7d: {  	s28 =	sand.u32 $0x7F, s29  }
0x7e: {  	s29 =	sadd.s32 $0xFFFFFFFA, s1;
	v8 =	vor.u32 s28, v0  }
0x7f: {  	v15 =	vmov s29  }
0x80: {  	v16 =	vshll.u32 v15, $0x3  }
0x81: {  	v9 =	vand.u32 $0x79, v15;
	v10 =	vand.u32 $0xC00, v16  }
0x82: {  	v9 =	vor.u32 v9, v10  }
0x83: {  	v10 =	vor.u32 v1, v9;
	v8 =	vld.idx.msk [tilespmem:v8+s11+$0x0], $0xffff  }
0x84: {  	v17 =	vor.u32 s28, v2;
	_ =	sdelay $0x3  }
0x85: {  	[tilespmem:v10+s19+$0x0] =	vst.idx.msk $0xffff, v8  }
0x86: {  	v18 =	vor.u32 v3, v9;
	v8 =	vld.idx.msk [tilespmem:v17+s11+$0x0], $0xffff  }
0x87: {  	v19 =	vor.u32 s28, v4;
	_ =	sdelay $0x3  }
0x88: {  	[tilespmem:v18+s19+$0x0] =	vst.idx.msk $0xffff, v8  }
0x89: {  	v20 =	vor.u32 v5, v9;
	v8 =	vld.idx.msk [tilespmem:v19+s11+$0x0], $0xffff  }
0x8a: {  	v21 =	vor.u32 s28, v6;
	_ =	sdelay $0x3  }
0x8b: {  	[tilespmem:v20+s19+$0x0] =	vst.idx.msk $0xffff, v8  }
0x8c: {  	v9 =	vor.u32 v7, v9;
	v8 =	vld.idx.msk [tilespmem:v21+s11+$0x0], $0xffff;
	_ =	sdelay $0x4  }
0x8d: {  	[tilespmem:v9+s19+$0x0] =	vst.idx.msk $0xffff, v8  }
0x8e: {  	v8 =	vld @!p0 [tilespmem:s31+$0x0];
	_ =	sdelay $0x4  }
0x8f: {  	(v2sf) =	vpush @!p0 v8, $0x1;
	_ =	sdelay $0xe  }
0x90: {  	s28 =	spop @!p0 (v2sf)  }
0x91: {  	s28 =	sand.u32 @!p0 $0xFFFFF80, s28  }
0x92: {  	s29 =	simm.s32 @!p0 $0xA280;
	s28 =	sadd.s32 @!p0 s0, s28  }
0x93: {  	[tilespmem:s29], [sflag:$0x2] =	stream.strided.gather @!p0 [hbm4b:s28+s2], $0x2000, s3, s2, $0x38;
	[tilespmem:$0x18280] =	vst v63  }
0x94: {  	_ =	swait.ge [sflag:s21], $0x2000  }
0x95: {  	[sflag:s21] =	ssyncset.done $0x0  }
0x96: {  	[sflag:s21] =	ssyncadd.s32 $0xFFFFE000  }
0x97: {  	v8 =	vld [tilespmem:s31+$0xFFFFFFF8];
	_ =	sdelay $0x4  }
0x98: {  	(v2sf) =	vpush v8, $0x2;
	_ =	sdelay $0xe  }
0x99: {  	s29 =	spop (v2sf)  }
0x9a: {  	s28 =	sand.u32 $0x7F, s29  }
0x9b: {  	s29 =	sadd.s32 $0xFFFFFFFB, s1;
	v8 =	vor.u32 s28, v0  }
0x9c: {  	v22 =	vmov s29  }
0x9d: {  	v23 =	vshll.u32 v22, $0x3  }
0x9e: {  	v9 =	vand.u32 $0x7A, v22;
	v10 =	vand.u32 $0xC00, v23  }
0x9f: {  	v9 =	vor.u32 v9, v10  }
0xa0: {  	v10 =	vor.u32 v1, v9;
	v8 =	vld.idx.msk [tilespmem:v8+s12+$0x0], $0xffff  }
0xa1: {  	v24 =	vor.u32 s28, v2;
	_ =	sdelay $0x3  }
0xa2: {  	[tilespmem:v10+s19+$0x0] =	vst.idx.msk $0xffff, v8  }
0xa3: {  	v25 =	vor.u32 v3, v9;
	v8 =	vld.idx.msk [tilespmem:v24+s12+$0x0], $0xffff  }
0xa4: {  	v26 =	vor.u32 s28, v4;
	_ =	sdelay $0x3  }
0xa5: {  	[tilespmem:v25+s19+$0x0] =	vst.idx.msk $0xffff, v8  }
0xa6: {  	v27 =	vor.u32 v5, v9;
	v8 =	vld.idx.msk [tilespmem:v26+s12+$0x0], $0xffff  }
0xa7: {  	v28 =	vor.u32 s28, v6;
	_ =	sdelay $0x3  }
0xa8: {  	[tilespmem:v27+s19+$0x0] =	vst.idx.msk $0xffff, v8  }
0xa9: {  	v9 =	vor.u32 v7, v9;
	v8 =	vld.idx.msk [tilespmem:v28+s12+$0x0], $0xffff;
	_ =	sdelay $0x4  }
0xaa: {  	[tilespmem:v9+s19+$0x0] =	vst.idx.msk $0xffff, v8  }
0xab: {  	v8 =	vld @!p0 [tilespmem:s31+$0x0];
	_ =	sdelay $0x4  }
0xac: {  	(v2sf) =	vpush @!p0 v8, $0x2;
	_ =	sdelay $0xe  }
0xad: {  	s28 =	spop @!p0 (v2sf)  }
0xae: {  	s28 =	sand.u32 @!p0 $0xFFFFF80, s28  }
0xaf: {  	s29 =	simm.s32 @!p0 $0xC280;
	s28 =	sadd.s32 @!p0 s0, s28  }
0xb0: {  	[tilespmem:s29], [sflag:$0x3] =	stream.strided.gather @!p0 [hbm4b:s28+s2], $0x2000, s3, s2, $0x38;
	[tilespmem:$0x18280] =	vst v63  }
0xb1: {  	_ =	swait.ge [sflag:s22], $0x2000  }
0xb2: {  	[sflag:s22] =	ssyncset.done $0x0  }
0xb3: {  	[sflag:s22] =	ssyncadd.s32 $0xFFFFE000  }
0xb4: {  	v8 =	vld [tilespmem:s31+$0xFFFFFFF8];
	_ =	sdelay $0x4  }
0xb5: {  	(v2sf) =	vpush v8, $0x3;
	_ =	sdelay $0xe  }
0xb6: {  	s29 =	spop (v2sf)  }
0xb7: {  	s28 =	sand.u32 $0x7F, s29  }
0xb8: {  	s29 =	sadd.s32 $0xFFFFFFFC, s1;
	v8 =	vor.u32 s28, v0  }
0xb9: {  	v29 =	vmov s29  }
0xba: {  	v30 =	vshll.u32 v29, $0x3  }
0xbb: {  	v9 =	vand.u32 $0x7B, v29;
	v10 =	vand.u32 $0xC00, v30  }
0xbc: {  	v9 =	vor.u32 v9, v10  }
0xbd: {  	v10 =	vor.u32 v1, v9;
	v8 =	vld.idx.msk [tilespmem:v8+s13+$0x0], $0xffff  }
0xbe: {  	v31 =	vor.u32 s28, v2;
	_ =	sdelay $0x3  }
0xbf: {  	[tilespmem:v10+s19+$0x0] =	vst.idx.msk $0xffff, v8  }
0xc0: {  	v32 =	vor.u32 v3, v9;
	v8 =	vld.idx.msk [tilespmem:v31+s13+$0x0], $0xffff  }
0xc1: {  	v33 =	vor.u32 s28, v4;
	_ =	sdelay $0x3  }
0xc2: {  	[tilespmem:v32+s19+$0x0] =	vst.idx.msk $0xffff, v8  }
0xc3: {  	v34 =	vor.u32 v5, v9;
	v8 =	vld.idx.msk [tilespmem:v33+s13+$0x0], $0xffff  }
0xc4: {  	v35 =	vor.u32 s28, v6;
	_ =	sdelay $0x3  }
0xc5: {  	[tilespmem:v34+s19+$0x0] =	vst.idx.msk $0xffff, v8  }
0xc6: {  	v9 =	vor.u32 v7, v9;
	v8 =	vld.idx.msk [tilespmem:v35+s13+$0x0], $0xffff;
	_ =	sdelay $0x4  }
0xc7: {  	[tilespmem:v9+s19+$0x0] =	vst.idx.msk $0xffff, v8  }
0xc8: {  	v8 =	vld @!p0 [tilespmem:s31+$0x0];
	_ =	sdelay $0x4  }
0xc9: {  	(v2sf) =	vpush @!p0 v8, $0x3;
	_ =	sdelay $0xe  }
0xca: {  	s28 =	spop @!p0 (v2sf)  }
0xcb: {  	s28 =	sand.u32 @!p0 $0xFFFFF80, s28  }
0xcc: {  	s29 =	simm.s32 @!p0 $0xE280;
	s28 =	sadd.s32 @!p0 s0, s28  }
0xcd: {  	[tilespmem:s29], [sflag:$0x4] =	stream.strided.gather @!p0 [hbm4b:s28+s2], $0x2000, s3, s2, $0x38;
	[tilespmem:$0x18280] =	vst v63  }
0xce: {  	_ =	swait.ge [sflag:s23], $0x2000  }
0xcf: {  	[sflag:s23] =	ssyncset.done $0x0  }
0xd0: {  	[sflag:s23] =	ssyncadd.s32 $0xFFFFE000  }
0xd1: {  	v8 =	vld [tilespmem:s31+$0xFFFFFFF8];
	_ =	sdelay $0x4  }
0xd2: {  	(v2sf) =	vpush v8, $0x4;
	_ =	sdelay $0xe  }
0xd3: {  	s29 =	spop (v2sf)  }
0xd4: {  	s28 =	sand.u32 $0x7F, s29  }
0xd5: {  	s29 =	sadd.s32 $0xFFFFFFFD, s1;
	v8 =	vor.u32 s28, v0  }
0xd6: {  	v36 =	vmov s29  }
0xd7: {  	v37 =	vshll.u32 v36, $0x3  }
0xd8: {  	v9 =	vand.u32 $0x7C, v36;
	v10 =	vand.u32 $0xC00, v37  }
0xd9: {  	v9 =	vor.u32 v9, v10  }
0xda: {  	v10 =	vor.u32 v1, v9;
	v8 =	vld.idx.msk [tilespmem:v8+s14+$0x0], $0xffff  }
0xdb: {  	v38 =	vor.u32 s28, v2;
	_ =	sdelay $0x3  }
0xdc: {  	[tilespmem:v10+s19+$0x0] =	vst.idx.msk $0xffff, v8  }
0xdd: {  	v39 =	vor.u32 v3, v9;
	v8 =	vld.idx.msk [tilespmem:v38+s14+$0x0], $0xffff  }
0xde: {  	v40 =	vor.u32 s28, v4;
	_ =	sdelay $0x3  }
0xdf: {  	[tilespmem:v39+s19+$0x0] =	vst.idx.msk $0xffff, v8  }
0xe0: {  	v41 =	vor.u32 v5, v9;
	v8 =	vld.idx.msk [tilespmem:v40+s14+$0x0], $0xffff  }
0xe1: {  	v42 =	vor.u32 s28, v6;
	_ =	sdelay $0x3  }
0xe2: {  	[tilespmem:v41+s19+$0x0] =	vst.idx.msk $0xffff, v8  }
0xe3: {  	v9 =	vor.u32 v7, v9;
	v8 =	vld.idx.msk [tilespmem:v42+s14+$0x0], $0xffff;
	_ =	sdelay $0x4  }
0xe4: {  	[tilespmem:v9+s19+$0x0] =	vst.idx.msk $0xffff, v8  }
0xe5: {  	v8 =	vld @!p0 [tilespmem:s31+$0x0];
	_ =	sdelay $0x4  }
0xe6: {  	(v2sf) =	vpush @!p0 v8, $0x4;
	_ =	sdelay $0xe  }
0xe7: {  	s28 =	spop @!p0 (v2sf)  }
0xe8: {  	s28 =	sand.u32 @!p0 $0xFFFFF80, s28  }
0xe9: {  	s29 =	simm.s32 @!p0 $0x10280;
	s28 =	sadd.s32 @!p0 s0, s28  }
0xea: {  	[tilespmem:s29], [sflag:$0x5] =	stream.strided.gather @!p0 [hbm4b:s28+s2], $0x2000, s3, s2, $0x38;
	[tilespmem:$0x18280] =	vst v63  }
0xeb: {  	_ =	swait.ge [sflag:s24], $0x2000  }
0xec: {  	[sflag:s24] =	ssyncset.done $0x0  }
0xed: {  	[sflag:s24] =	ssyncadd.s32 $0xFFFFE000  }
0xee: {  	v8 =	vld [tilespmem:s31+$0xFFFFFFF8];
	_ =	sdelay $0x4  }
0xef: {  	(v2sf) =	vpush v8, $0x5;
	_ =	sdelay $0xe  }
0xf0: {  	s29 =	spop (v2sf)  }
0xf1: {  	s28 =	sand.u32 $0x7F, s29  }
0xf2: {  	s29 =	sadd.s32 $0xFFFFFFFE, s1;
	v8 =	vor.u32 s28, v0  }
0xf3: {  	v43 =	vmov s29  }
0xf4: {  	v44 =	vshll.u32 v43, $0x3  }
0xf5: {  	v9 =	vand.u32 $0x7D, v43;
	v10 =	vand.u32 $0xC00, v44  }
0xf6: {  	v9 =	vor.u32 v9, v10  }
0xf7: {  	v10 =	vor.u32 v1, v9;
	v8 =	vld.idx.msk [tilespmem:v8+s15+$0x0], $0xffff  }
0xf8: {  	v45 =	vor.u32 s28, v2;
	_ =	sdelay $0x3  }
0xf9: {  	[tilespmem:v10+s19+$0x0] =	vst.idx.msk $0xffff, v8  }
0xfa: {  	v46 =	vor.u32 v3, v9;
	v8 =	vld.idx.msk [tilespmem:v45+s15+$0x0], $0xffff  }
0xfb: {  	v47 =	vor.u32 s28, v4;
	_ =	sdelay $0x3  }
0xfc: {  	[tilespmem:v46+s19+$0x0] =	vst.idx.msk $0xffff, v8  }
0xfd: {  	v48 =	vor.u32 v5, v9;
	v8 =	vld.idx.msk [tilespmem:v47+s15+$0x0], $0xffff  }
0xfe: {  	v49 =	vor.u32 s28, v6;
	_ =	sdelay $0x3  }
0xff: {  	[tilespmem:v48+s19+$0x0] =	vst.idx.msk $0xffff, v8  }
0x100: {  	v9 =	vor.u32 v7, v9;
	v8 =	vld.idx.msk [tilespmem:v49+s15+$0x0], $0xffff;
	_ =	sdelay $0x4  }
0x101: {  	[tilespmem:v9+s19+$0x0] =	vst.idx.msk $0xffff, v8  }
0x102: {  	v8 =	vld @!p0 [tilespmem:s31+$0x0];
	_ =	sdelay $0x4  }
0x103: {  	(v2sf) =	vpush @!p0 v8, $0x5;
	_ =	sdelay $0xe  }
0x104: {  	s28 =	spop @!p0 (v2sf)  }
0x105: {  	s28 =	sand.u32 @!p0 $0xFFFFF80, s28  }
0x106: {  	s29 =	simm.s32 @!p0 $0x12280;
	s28 =	sadd.s32 @!p0 s0, s28  }
0x107: {  	[tilespmem:s29], [sflag:$0x6] =	stream.strided.gather @!p0 [hbm4b:s28+s2], $0x2000, s3, s2, $0x38;
	[tilespmem:$0x18280] =	vst v63  }
0x108: {  	_ =	swait.ge [sflag:s25], $0x2000  }
0x109: {  	[sflag:s25] =	ssyncset.done $0x0  }
0x10a: {  	[sflag:s25] =	ssyncadd.s32 $0xFFFFE000  }
0x10b: {  	v8 =	vld [tilespmem:s31+$0xFFFFFFF8];
	_ =	sdelay $0x4  }
0x10c: {  	(v2sf) =	vpush v8, $0x6;
	_ =	sdelay $0xe  }
0x10d: {  	s29 =	spop (v2sf)  }
0x10e: {  	s28 =	sand.u32 $0x7F, s29  }
0x10f: {  	s29 =	sadd.s32 $0xFFFFFFFF, s1;
	v8 =	vor.u32 s28, v0  }
0x110: {  	v50 =	vmov s29  }
0x111: {  	v51 =	vshll.u32 v50, $0x3  }
0x112: {  	v9 =	vand.u32 $0x7E, v50;
	v10 =	vand.u32 $0xC00, v51  }
0x113: {  	v9 =	vor.u32 v9, v10  }
0x114: {  	v10 =	vor.u32 v1, v9;
	v8 =	vld.idx.msk [tilespmem:v8+s16+$0x0], $0xffff  }
0x115: {  	v52 =	vor.u32 s28, v2;
	_ =	sdelay $0x3  }
0x116: {  	[tilespmem:v10+s19+$0x0] =	vst.idx.msk $0xffff, v8  }
0x117: {  	v53 =	vor.u32 v3, v9;
	v8 =	vld.idx.msk [tilespmem:v52+s16+$0x0], $0xffff  }
0x118: {  	v54 =	vor.u32 s28, v4;
	_ =	sdelay $0x3  }
0x119: {  	[tilespmem:v53+s19+$0x0] =	vst.idx.msk $0xffff, v8  }
0x11a: {  	v55 =	vor.u32 v5, v9;
	v8 =	vld.idx.msk [tilespmem:v54+s16+$0x0], $0xffff  }
0x11b: {  	v56 =	vor.u32 s28, v6;
	_ =	sdelay $0x3  }
0x11c: {  	[tilespmem:v55+s19+$0x0] =	vst.idx.msk $0xffff, v8  }
0x11d: {  	v9 =	vor.u32 v7, v9;
	v8 =	vld.idx.msk [tilespmem:v56+s16+$0x0], $0xffff;
	_ =	sdelay $0x4  }
0x11e: {  	[tilespmem:v9+s19+$0x0] =	vst.idx.msk $0xffff, v8  }
0x11f: {  	v8 =	vld @!p0 [tilespmem:s31+$0x0];
	_ =	sdelay $0x4  }
0x120: {  	(v2sf) =	vpush @!p0 v8, $0x6;
	_ =	sdelay $0xe  }
0x121: {  	s28 =	spop @!p0 (v2sf)  }
0x122: {  	s28 =	sand.u32 @!p0 $0xFFFFF80, s28  }
0x123: {  	s29 =	simm.s32 @!p0 $0x14280;
	s28 =	sadd.s32 @!p0 s0, s28  }
0x124: {  	[tilespmem:s29], [sflag:$0x7] =	stream.strided.gather @!p0 [hbm4b:s28+s2], $0x2000, s3, s2, $0x38;
	[tilespmem:$0x18280] =	vst v63  }
0x125: {  	_ =	swait.ge [sflag:s26], $0x2000  }
0x126: {  	[sflag:s26] =	ssyncset.done $0x0  }
0x127: {  	[sflag:s26] =	ssyncadd.s32 $0xFFFFE000  }
0x128: {  	v8 =	vld [tilespmem:s31+$0xFFFFFFF8];
	_ =	sdelay $0x4  }
0x129: {  	(v2sf) =	vpush v8, $0x7;
	_ =	sdelay $0xe  }
0x12a: {  	s29 =	spop (v2sf)  }
0x12b: {  	s2 =	sand.u32 $0x7F, s29  }
0x12c: {  	v8 =	vor.u32 s2, v0  }
0x12d: {  	v57 =	vmov s1  }
0x12e: {  	v58 =	vshll.u32 v57, $0x3  }
0x12f: {  	v10 =	vand.u32 $0xC00, v58;
	v9 =	vand.u32 $0x7F, v57  }
0x130: {  	v9 =	vor.u32 v9, v10  }
0x131: {  	v10 =	vor.u32 v1, v9;
	v8 =	vld.idx.msk [tilespmem:v8+s17+$0x0], $0xffff  }
0x132: {  	v59 =	vor.u32 s2, v2;
	_ =	sdelay $0x3  }
0x133: {  	[tilespmem:v10+s19+$0x0] =	vst.idx.msk $0xffff, v8  }
0x134: {  	v60 =	vor.u32 v3, v9;
	v8 =	vld.idx.msk [tilespmem:v59+s17+$0x0], $0xffff  }
0x135: {  	v61 =	vor.u32 s2, v4;
	_ =	sdelay $0x3  }
0x136: {  	[tilespmem:v60+s19+$0x0] =	vst.idx.msk $0xffff, v8  }
0x137: {  	v62 =	vor.u32 v5, v9;
	v8 =	vld.idx.msk [tilespmem:v61+s17+$0x0], $0xffff  }
0x138: {  	v63 =	vor.u32 s2, v6;
	_ =	sdelay $0x3  }
0x139: {  	[tilespmem:v62+s19+$0x0] =	vst.idx.msk $0xffff, v8  }
0x13a: {  	v9 =	vor.u32 v7, v9;
	v8 =	vld.idx.msk [tilespmem:v63+s17+$0x0], $0xffff  }
.Ltmp2:
0x13b: {  	_ = 	snop;
	(pc) =	sbr.rel @p0 .LBB2_4-.Ltmp2, $2  }
0x13c: {  	_ =	sdelay $0x2  }
0x13d: {  	[tilespmem:v9+s19+$0x0] =	vst.idx.msk $0xffff, v8  }
0x13e: {  	v8 =	vld [tilespmem:s31+$0x0];
	_ =	sdelay $0x4  }
0x13f: {  	(v2sf) =	vpush v8, $0x7;
	_ =	sdelay $0xd  }
.Ltmp3:
0x140: {  	_ = 	snop;
	(pc) =	sbr.rel .LBB2_2-.Ltmp3, $4  }
0x141: {  	s2 =	spop (v2sf)  }
0x142: {  	s2 =	sand.u32 $0xFFFFF80, s2  }
0x143: {  	s1 =	sadd.s32 $0x8, s1;
	s31 =	sadd.s32 $0x8, s31;
	s2 =	sadd.s32 s0, s2  }
0x144: {  	[tilespmem:s17], [sflag:$0x8] =	stream.strided.gather [hbm4b:s2+s9], $0x2000, s8, s9, $0x38;
	[tilespmem:$0x18280] =	vst v63  }
.LBB2_5:
0x145: {  	_ =	sfence.sel $0x180000  }
0x146: {  	[bflag:$0x0] =	sbarrier.arrive $0xFFFF  }
0x147: {  	_ =	strace $0x90000047  }
0x148: {  	s0 =	stileid.u32;
	[bflag:$0x2] =	sbarrier.arrive $0xFFFF  }
0x149: {  	p0 =	sne.s32 s0, $0x0;
	s0 =	rddreg [dreg:$0x3]  }
0x14a: {  	s0 =	sadd.s32 @!p0 $0x100000, s0  }
0x14b: {  	[sflag:s0] =	ssyncadd.tile.s32 @!p0 $0x1;
	_ =	shalt  }
.Lfunc_end2:
_tile_overlayer_lowered:
.L_overlay_start_2:
0x14c: {  	(tag) =	ssettag $0x2  }
0x14d: {  	s0 =	rddreg [dreg:$0x0];
	s2 =	stileid.u32  }
0x14e: {  	s1 =	rddreg [dreg:$0x1];
	p0 =	sne.s32 s2, $0x0  }
0x14f: {  	s3 =	rddreg [dreg:$0x2];
	[bflag:$0x3] =	sbarrier.arrive $0xFFFF;
	s2 =	simm.s32 @!p0 $0x1C09  }
0x150: {  	[timem:s3], [sflag:s2] =	dma.local @!p0 [hbm:s0], s1  }
0x151: {  	s0 =	simm.s32 @!p0 $0x9  }
0x152: {  	_ =	swait.ge @!p0 [sflag:s0], s1  }
0x153: {  	s1 =	ssub.s32 @!p0 $0x0, s1;
	[sflag:s0] =	ssyncset.done @!p0 $0x0  }
0x154: {  	[sflag:s0] =	ssyncadd.s32 @!p0 s1  }
0x155: {  	[bflag:$0x3] =	sbarrier.arrive $0xFFFF  }
0x156: {  	_ =	shalt  }

</sc_bundles>
